<compile_context>
chip_gen: v7x
topology: tpu7x:2x2x1
jax: 0.10.2.dev20260603
libtpu: 0.0.44.dev20260713+nightly
codegen_flags: <defaults>
</compile_context>

<pallas_src>
import functools

import jax
import jax.numpy as jnp
from jax import lax
from jax.experimental import pallas as pl
from jax.experimental.pallas import tpu as pltpu
from jax.experimental.pallas import tpu_sc as plsc

N_NODES = 10000
N_EDGES = 320000
D = 128
TABLE_PAD = 8

NC = 2
NS = 16
L = 16

N_PAD = 10240
S_ROWS = 10240
E_PER_TILE = 10240
E_PAD = NC * NS * E_PER_TILE
CHUNK = 128
N_CHUNKS = E_PER_TILE // CHUNK
NBUF = 2
IDXG = 8
W_PER_TILE = N_PAD // NS
SZ_PER_TILE = S_ROWS // NS
SO_PER_TILE = 624


def _sc_segment_accum():
    mesh = plsc.VectorSubcoreMesh(
        core_axis_name="c", subcore_axis_name="s", num_cores=NC, num_subcores=NS
    )

    @functools.partial(
        pl.kernel,
        out_type=(
            jax.ShapeDtypeStruct((NC, N_NODES, D), jnp.float32),
            jax.ShapeDtypeStruct((NC * N_PAD,), jnp.float32),
        ),
        mesh=mesh,
        scratch_types=[
            pltpu.VMEM((2, IDXG, CHUNK), jnp.int32),
            pltpu.VMEM((2, IDXG, CHUNK), jnp.int32),
            pltpu.VMEM((NBUF, CHUNK), jnp.float32),
            pltpu.VMEM((NBUF, CHUNK, D), jnp.float32),
            pltpu.VMEM_SHARED((S_ROWS, D), jnp.float32),
            pltpu.VMEM_SHARED((N_PAD,), jnp.float32),
            [pltpu.SemaphoreType.DMA] * NBUF,
            [pltpu.SemaphoreType.DMA] * NBUF,
            [pltpu.SemaphoreType.DMA] * NBUF,
            [pltpu.SemaphoreType.DMA] * NBUF,
        ],
        compiler_params=pltpu.CompilerParams(needs_layout_passes=False),
    )
    def seg_kernel(src_hbm, dst_hbm, ec_hbm, scaled_hbm, s_out, w_out,
                   src_v, dst_v, ec_v, rows_v, s_sh, w_sh,
                   sem_g, sem_e, sem_s, sem_w):
        cid = lax.axis_index("c")
        sid = lax.axis_index("s")
        zero16 = jnp.zeros((L,), jnp.float32)

        def zrow_body(b, _):
            for j in range(D // L):
                rows_v[0, b, pl.ds(j * L, L)] = zero16
            return 0

        lax.fori_loop(0, CHUNK, zrow_body, 0)

        def zw_body(g, _):
            ec_v[0, pl.ds(g * L, L)] = zero16
            return 0

        lax.fori_loop(0, CHUNK // L, zw_body, 0)

        zrow0 = sid * SZ_PER_TILE
        nfull = SZ_PER_TILE // CHUNK
        for t in range(nfull):
            pltpu.sync_copy(rows_v.at[0], s_sh.at[pl.ds(zrow0 + t * CHUNK, CHUNK)])
        rem = SZ_PER_TILE - nfull * CHUNK
        if rem:
            pltpu.sync_copy(rows_v.at[0, pl.ds(0, rem)],
                            s_sh.at[pl.ds(zrow0 + nfull * CHUNK, rem)])
        for t in range(W_PER_TILE // CHUNK):
            pltpu.sync_copy(ec_v.at[0],
                            w_sh.at[pl.ds(sid * W_PER_TILE + t * CHUNK, CHUNK)])
        plsc.subcore_barrier()

        nck = N_CHUNKS
        cbase = (cid * NS + sid) * N_CHUNKS

        def load_idx_group(g):
            gb = lax.rem(g, 2)
            pltpu.sync_copy(src_hbm.at[pl.ds(cbase + g * IDXG, IDXG)],
                            src_v.at[gb])
            pltpu.sync_copy(dst_hbm.at[pl.ds(cbase + g * IDXG, IDXG)],
                            dst_v.at[gb])

        def src_row(k):
            return src_v.at[lax.rem(k // IDXG, 2), lax.rem(k, IDXG)]

        def dst_row(k):
            return dst_v.at[lax.rem(k // IDXG, 2), lax.rem(k, IDXG)]

        def issue_gather(k, b):
            pltpu.async_copy(scaled_hbm.at[src_row(k)], rows_v.at[b], sem_g[b])
            pltpu.async_copy(ec_hbm.at[src_row(k)], ec_v.at[b], sem_e[b])

        def wait_gather(k, b):
            pltpu.make_async_copy(scaled_hbm.at[src_row(k)], rows_v.at[b],
                                  sem_g[b]).wait()
            pltpu.make_async_copy(ec_hbm.at[src_row(k)], ec_v.at[b],
                                  sem_e[b]).wait()

        def wait_scatters(k, b):
            pltpu.make_async_copy(rows_v.at[b], s_sh.at[dst_row(k)],
                                  sem_s[b]).wait()
            pltpu.make_async_copy(ec_v.at[b], w_sh.at[dst_row(k)],
                                  sem_w[b]).wait()

        load_idx_group(0)
        for b in range(2):
            issue_gather(b, b)

        def outer_body(kk, _):
            for b in range(NBUF):
                k = kk * NBUF + b
                wait_gather(k, b)
                pltpu.async_copy(rows_v.at[b], s_sh.at[dst_row(k)], sem_s[b],
                                 add=True)
                pltpu.async_copy(ec_v.at[b], w_sh.at[dst_row(k)], sem_w[b],
                                 add=True)
                b2 = (b + 2) % NBUF
                k2 = k + 2

                @pl.when(k2 < nck)
                def _():
                    @pl.when(k2 >= NBUF)
                    def _():
                        wait_scatters(k2 - NBUF, b2)

                    @pl.when(lax.rem(k2, IDXG) == 0)
                    def _():
                        load_idx_group(k2 // IDXG)

                    issue_gather(k2, b2)

            return 0

        lax.fori_loop(0, nck // NBUF, outer_body, 0)
        for b in range(NBUF):
            wait_scatters(nck - NBUF + b, b)
        plsc.subcore_barrier()

        row0 = sid * SO_PER_TILE
        last = N_NODES - (NS - 1) * SO_PER_TILE

        @pl.when(sid < NS - 1)
        def _():
            pltpu.sync_copy(s_sh.at[pl.ds(row0, SO_PER_TILE)],
                            s_out.at[cid, pl.ds(row0, SO_PER_TILE)])

        @pl.when(sid == NS - 1)
        def _():
            pltpu.sync_copy(s_sh.at[pl.ds(row0, last)],
                            s_out.at[cid, pl.ds(row0, last)])
        wrow0 = sid * W_PER_TILE
        pltpu.sync_copy(w_sh.at[pl.ds(wrow0, W_PER_TILE)],
                        w_out.at[pl.ds(cid * N_PAD + wrow0, W_PER_TILE)])

    return seg_kernel


_BLK = 1000
_GRID = N_NODES // _BLK


def _prescale_body(accum, author, ec_ref, scaled_ref):
    ec = jnp.exp(accum[...])
    ec_ref[...] = ec
    scaled_ref[...] = ec * author[...]


def _tc_prescale(accum2d, author_h):
    row = lambda c: pl.BlockSpec((_BLK, c), lambda i: (i, 0))
    return pl.pallas_call(
        _prescale_body,
        grid=(_GRID,),
        in_specs=[row(1), row(D)],
        out_specs=[row(1), row(D)],
        out_shape=[
            jax.ShapeDtypeStruct((N_NODES, 1), jnp.float32),
            jax.ShapeDtypeStruct((N_NODES, D), jnp.float32),
        ],
    )(accum2d, author_h)


def _tc_body(s0, s1, w0, w1, snap, boxes, table, w_enc, b_enc, w_out_p, b_out,
             w_mix, b_mix, out_ref, pope_ref, loss_ref):
    i = pl.program_id(0)
    wsum = w0[...] + w1[...]
    paper_h = (s0[...] + s1[...]) / (wsum + 1e-20)

    pe = jnp.dot(snap[...], w_enc[...], preferred_element_type=jnp.float32) + b_enc[...]
    pop_embs = jnp.where(pe > 0, pe, 0.01 * pe)
    pope_ref[...] = pop_embs
    out_ref[...] = (
        jnp.dot(pop_embs, w_out_p[...], preferred_element_type=jnp.float32) + b_out[...]
    )

    wm = w_mix[...]
    tmix = jnp.dot(table[...], wm[D:, :], preferred_element_type=jnp.float32)
    onehot = (boxes[...] == lax.broadcasted_iota(jnp.int32, (1, TABLE_PAD), 1)
              ).astype(jnp.float32)
    mx = (jnp.dot(paper_h, wm[:D, :], preferred_element_type=jnp.float32)
          + jnp.dot(onehot, tmix, preferred_element_type=jnp.float32) + b_mix[...])
    pop_mix = jnp.where(mx > 0, mx, 0.01 * mx)

    n1 = jnp.maximum(jnp.sqrt(jnp.sum(pop_embs * pop_embs, axis=1, keepdims=True)), 1e-8)
    n2 = jnp.maximum(jnp.sqrt(jnp.sum(pop_mix * pop_mix, axis=1, keepdims=True)), 1e-8)
    cos = jnp.sum(pop_embs * pop_mix, axis=1, keepdims=True) / (n1 * n2)
    part = jnp.sum(1.0 - cos) * (1.0 / N_NODES)

    @pl.when(i == 0)
    def _():
        loss_ref[0, 0] = 0.0

    loss_ref[0, 0] += part


def _tc_heads(s0, s1, w0, w1, snap, boxes, table, w_enc, b_enc, w_out_p, b_out,
              w_mix, b_mix):
    full = lambda s: pl.BlockSpec(s, lambda i: (0, 0))
    row = lambda c: pl.BlockSpec((_BLK, c), lambda i: (i, 0))
    return pl.pallas_call(
        _tc_body,
        grid=(_GRID,),
        in_specs=[
            row(D), row(D), row(1), row(1), row(D), row(1),
            full((TABLE_PAD, D)), full((D, D)), full((1, D)), full((D, 1)),
            full((1, 1)), full((2 * D, D)), full((1, D)),
        ],
        out_specs=[
            row(1), row(D),
            pl.BlockSpec((1, 1), lambda i: (0, 0), memory_space=pltpu.SMEM),
        ],
        out_shape=[
            jax.ShapeDtypeStruct((N_NODES, 1), jnp.float32),
            jax.ShapeDtypeStruct((N_NODES, D), jnp.float32),
            jax.ShapeDtypeStruct((1, 1), jnp.float32),
        ],
        compiler_params=pltpu.CompilerParams(
            dimension_semantics=("arbitrary",),
        ),
    )(s0, s1, w0, w1, snap, boxes, table, w_enc, b_enc, w_out_p, b_out,
      w_mix, b_mix)


@jax.jit
def kernel(snapshot_readouts, author_h, accum_citations, final_boxes, edge_index,
           accum_table, W_enc, b_enc, W_out, b_out, W_mix, b_mix):
    src = edge_index[0].astype(jnp.int32)
    dst = edge_index[1].astype(jnp.int32)
    npad = E_PAD - N_EDGES
    src_p = jnp.concatenate([src, jnp.zeros((npad,), jnp.int32)]
                            ).reshape(E_PAD // CHUNK, CHUNK)
    pad_dst = N_NODES + (jnp.arange(npad, dtype=jnp.int32) % (S_ROWS - N_NODES))
    dst_p = jnp.concatenate([dst, pad_dst]).reshape(E_PAD // CHUNK, CHUNK)

    ec2d, scaled_h = _tc_prescale(accum_citations[:, None], author_h)
    s_part, w_flat = _sc_segment_accum()(
        src_p, dst_p, ec2d.reshape(N_NODES), scaled_h)
    w_part = w_flat.reshape(NC, N_PAD)

    table8 = jnp.zeros((TABLE_PAD, D), jnp.float32).at[:6].set(accum_table)
    out, pop_embs, loss = _tc_heads(
        s_part[0], s_part[1],
        w_part[0, :N_NODES, None], w_part[1, :N_NODES, None],
        snapshot_readouts, final_boxes.astype(jnp.int32)[:, None],
        table8, W_enc, b_enc[None, :], W_out, b_out[None, :],
        W_mix, b_mix[None, :],
    )
    return out, pop_embs, loss[0, 0]

# --- scband reference (transcript-rebuilt; emitter-appended) ---
"""Pipeline reference for scband-author-accum-citation-pop-module-26319559590620 (READ-ONLY COPY).

The authoritative reference and input builder live on the scoring server;
editing this copy changes nothing except your own understanding.
"""

import jax, jax.numpy as jnp
import numpy as np

N_NODES = 10000
N_EDGES = 320000
EMBED_DIM = 128
HIDDEN_DIM = 128
BOX_COUNT = 5
TABLE_ROWS = BOX_COUNT + 1


def _leaky_relu(x):
    return jnp.where(x > 0, x, 0.01 * x)


def setup_inputs(seed: int = 0):
    key = jax.random.key(seed)
    ks = jax.random.split(key, 12)
    inp = {}
    # forward activations / graph tensors
    inp["snapshot_readouts"] = jax.random.normal(ks[0], (N_NODES, HIDDEN_DIM), dtype=jnp.float32)
    inp["author_h"] = jax.random.normal(ks[1], (N_NODES, EMBED_DIM), dtype=jnp.float32)
    inp["accum_citations"] = jax.random.uniform(ks[2], (N_NODES,), dtype=jnp.float32)
    inp["final_boxes"] = jax.random.randint(ks[3], (N_NODES,), 0, TABLE_ROWS)
    inp["edge_index"] = jax.random.randint(ks[4], (2, N_EDGES), 0, N_NODES)
    # learned parameters
    inp["accum_table"] = jax.random.normal(ks[5], (TABLE_ROWS, EMBED_DIM), dtype=jnp.float32) * 0.02
    inp["W_enc"] = jax.random.normal(ks[6], (HIDDEN_DIM, HIDDEN_DIM), dtype=jnp.float32) * (1.0 / np.sqrt(HIDDEN_DIM))
    inp["b_enc"] = jnp.zeros((HIDDEN_DIM,), dtype=jnp.float32)
    inp["W_out"] = jax.random.normal(ks[7], (HIDDEN_DIM, 1), dtype=jnp.float32) * (1.0 / np.sqrt(HIDDEN_DIM))
    inp["b_out"] = jnp.zeros((1,), dtype=jnp.float32)
    inp["W_mix"] = jax.random.normal(ks[8], (2 * EMBED_DIM, HIDDEN_DIM), dtype=jnp.float32) * (1.0 / np.sqrt(2 * EMBED_DIM))
    inp["b_mix"] = jnp.zeros((HIDDEN_DIM,), dtype=jnp.float32)
    return inp


def reference(snapshot_readouts, author_h, accum_citations, final_boxes, edge_index,
              accum_table, W_enc, b_enc, W_out, b_out, W_mix, b_mix):
    src = edge_index[0]
    dst = edge_index[1]
    # copy_u('accum_citations') -> edge scores, then edge_softmax over incoming edges per dst paper
    c = accum_citations[src]
    cmax = jax.ops.segment_max(c, dst, num_segments=N_NODES)
    ce = jnp.exp(c - cmax[dst])
    denom = jax.ops.segment_sum(ce, dst, num_segments=N_NODES)
    alpha = ce / (denom[dst] + 1e-20)
    # src_mul_edge('h','c','m') then sum('m','h') onto target papers
    m = alpha[:, None] * author_h[src]
    paper_h = jax.ops.segment_sum(m, dst, num_segments=N_NODES)
    author_embs = jax.lax.stop_gradient(paper_h)  # .detach() in torch
    # accum_emb embedding lookup
    paper_embs = jnp.take(accum_table, final_boxes, axis=0)
    # pop_mix MLP on concat
    pop_mix_embs = _leaky_relu(jnp.concatenate([author_embs, paper_embs], axis=-1) @ W_mix + b_mix)
    # pop_encoder MLP (dropout=0 is identity)
    pop_embs = _leaky_relu(snapshot_readouts @ W_enc + b_enc)
    # cosine-similarity pop loss
    n1 = jnp.maximum(jnp.linalg.norm(pop_embs, axis=-1), 1e-8)
    n2 = jnp.maximum(jnp.linalg.norm(pop_mix_embs, axis=-1), 1e-8)
    cos = jnp.sum(pop_embs * pop_mix_embs, axis=-1) / (n1 * n2)
    pop_loss = jnp.mean(1.0 - cos)
    # fc_out
    out = pop_embs @ W_out + b_out
    return (out, pop_embs, pop_loss)

if __name__ == "__main__":
    import jax
    _d = setup_inputs()
    print(jax.jit(kernel)(*tuple(_d.values())))

</pallas_src>

<mosaic_0001>
#map = affine_map<(d0, d1) -> (0, 0)>
#map1 = affine_map<(d0, d1) -> (0)>
#map2 = affine_map<(d0, d1) -> (0, 0, 0)>
module attributes {stable_mosaic.version = 14 : i64} {
  func.func @seg_kernel(%arg0: i32, %arg1: i32, %arg2: memref<2560x128xi32, #tpu.memory_space<hbm>>, %arg3: memref<2560x128xi32, #tpu.memory_space<hbm>>, %arg4: memref<10000xf32, #tpu.memory_space<hbm>>, %arg5: memref<10000x128xf32, #tpu.memory_space<hbm>>, %arg6: memref<2x10000x128xf32, #tpu.memory_space<hbm>>, %arg7: memref<20480xf32, #tpu.memory_space<hbm>>, %arg8: memref<2x8x128xi32, #tpu.memory_space<vmem>>, %arg9: memref<2x8x128xi32, #tpu.memory_space<vmem>>, %arg10: memref<2x128xf32, #tpu.memory_space<vmem>>, %arg11: memref<2x128x128xf32, #tpu.memory_space<vmem>>, %arg12: memref<10240x128xf32, #tpu.memory_space<vmem_shared>>, %arg13: memref<10240xf32, #tpu.memory_space<vmem_shared>>, %arg14: memref<!tpu.dma_semaphore, #tpu.memory_space<semaphore_mem>>, %arg15: memref<!tpu.dma_semaphore, #tpu.memory_space<semaphore_mem>>, %arg16: memref<!tpu.dma_semaphore, #tpu.memory_space<semaphore_mem>>, %arg17: memref<!tpu.dma_semaphore, #tpu.memory_space<semaphore_mem>>, %arg18: memref<!tpu.dma_semaphore, #tpu.memory_space<semaphore_mem>>, %arg19: memref<!tpu.dma_semaphore, #tpu.memory_space<semaphore_mem>>, %arg20: memref<!tpu.dma_semaphore, #tpu.memory_space<semaphore_mem>>, %arg21: memref<!tpu.dma_semaphore, #tpu.memory_space<semaphore_mem>>) attributes {dimension_semantics = [#tpu.dimension_semantics<core_parallel>, #tpu.dimension_semantics<subcore_parallel>], iteration_bounds = array<i64: 2, 16>, scalar_prefetch = 0 : i64, scratch_operands = 14 : i64, tpu.core_type = #tpu.core_type<sc_vector_subcore>, window_params = [{transform_indices = #map}, {transform_indices = #map}, {transform_indices = #map1}, {transform_indices = #map}, {transform_indices = #map2}, {transform_indices = #map1}]} {
    %broadcast_in_dim3A = arith.constant 0.000000e+00 : f32
    %broadcast_in_dim3A_0 = vector.broadcast %broadcast_in_dim3A : f32 to vector<16xf32>
    %scan3A = arith.constant 0 : i32
    %scan3A_1 = arith.constant 0 : i32
    %scan3A_2 = arith.constant 128 : i32
    %scan3A_3 = arith.addi %scan3A_1, %scan3A_2 : i32
    %scan3A_4 = arith.constant 1 : i32
    %scan3A_5 = scf.for %scan3A_211 = %scan3A_1 to %scan3A_3 step %scan3A_4 iter_args(%scan3A_212 = %scan3A) -> (i32)  : i32 {
      %swap3A = arith.constant 0 : i32
      %swap3A_213 = arith.index_cast %swap3A : i32 to index
      %swap3A_214 = arith.index_cast %scan3A_211 : i32 to index
      %swap3A_215 = arith.constant 0 : index
      %swap3A_216 = tpu.vector_load %arg11[%swap3A_213, %swap3A_214, %swap3A_215] {strides = array<i32>} : memref<2x128x128xf32, #tpu.memory_space<vmem>>, vector<16xf32>,
      tpu.vector_store %arg11[%swap3A_213, %swap3A_214, %swap3A_215], %broadcast_in_dim3A_0 {strides = array<i32>} : memref<2x128x128xf32, #tpu.memory_space<vmem>>, vector<16xf32>,
      %swap3A_217 = arith.constant 0 : i32
      %swap3A_218 = arith.index_cast %swap3A_217 : i32 to index
      %swap3A_219 = arith.index_cast %scan3A_211 : i32 to index
      %swap3A_220 = arith.constant 16 : index
      %swap3A_221 = tpu.vector_load %arg11[%swap3A_218, %swap3A_219, %swap3A_220] {strides = array<i32>} : memref<2x128x128xf32, #tpu.memory_space<vmem>>, vector<16xf32>,
      tpu.vector_store %arg11[%swap3A_218, %swap3A_219, %swap3A_220], %broadcast_in_dim3A_0 {strides = array<i32>} : memref<2x128x128xf32, #tpu.memory_space<vmem>>, vector<16xf32>,
      %swap3A_222 = arith.constant 0 : i32
      %swap3A_223 = arith.index_cast %swap3A_222 : i32 to index
      %swap3A_224 = arith.index_cast %scan3A_211 : i32 to index
      %swap3A_225 = arith.constant 32 : index
      %swap3A_226 = tpu.vector_load %arg11[%swap3A_223, %swap3A_224, %swap3A_225] {strides = array<i32>} : memref<2x128x128xf32, #tpu.memory_space<vmem>>, vector<16xf32>,
      tpu.vector_store %arg11[%swap3A_223, %swap3A_224, %swap3A_225], %broadcast_in_dim3A_0 {strides = array<i32>} : memref<2x128x128xf32, #tpu.memory_space<vmem>>, vector<16xf32>,
      %swap3A_227 = arith.constant 0 : i32
      %swap3A_228 = arith.index_cast %swap3A_227 : i32 to index
      %swap3A_229 = arith.index_cast %scan3A_211 : i32 to index
      %swap3A_230 = arith.constant 48 : index
      %swap3A_231 = tpu.vector_load %arg11[%swap3A_228, %swap3A_229, %swap3A_230] {strides = array<i32>} : memref<2x128x128xf32, #tpu.memory_space<vmem>>, vector<16xf32>,
      tpu.vector_store %arg11[%swap3A_228, %swap3A_229, %swap3A_230], %broadcast_in_dim3A_0 {strides = array<i32>} : memref<2x128x128xf32, #tpu.memory_space<vmem>>, vector<16xf32>,
      %swap3A_232 = arith.constant 0 : i32
      %swap3A_233 = arith.index_cast %swap3A_232 : i32 to index
      %swap3A_234 = arith.index_cast %scan3A_211 : i32 to index
      %swap3A_235 = arith.constant 64 : index
      %swap3A_236 = tpu.vector_load %arg11[%swap3A_233, %swap3A_234, %swap3A_235] {strides = array<i32>} : memref<2x128x128xf32, #tpu.memory_space<vmem>>, vector<16xf32>,
      tpu.vector_store %arg11[%swap3A_233, %swap3A_234, %swap3A_235], %broadcast_in_dim3A_0 {strides = array<i32>} : memref<2x128x128xf32, #tpu.memory_space<vmem>>, vector<16xf32>,
      %swap3A_237 = arith.constant 0 : i32
      %swap3A_238 = arith.index_cast %swap3A_237 : i32 to index
      %swap3A_239 = arith.index_cast %scan3A_211 : i32 to index
      %swap3A_240 = arith.constant 80 : index
      %swap3A_241 = tpu.vector_load %arg11[%swap3A_238, %swap3A_239, %swap3A_240] {strides = array<i32>} : memref<2x128x128xf32, #tpu.memory_space<vmem>>, vector<16xf32>,
      tpu.vector_store %arg11[%swap3A_238, %swap3A_239, %swap3A_240], %broadcast_in_dim3A_0 {strides = array<i32>} : memref<2x128x128xf32, #tpu.memory_space<vmem>>, vector<16xf32>,
      %swap3A_242 = arith.constant 0 : i32
      %swap3A_243 = arith.index_cast %swap3A_242 : i32 to index
      %swap3A_244 = arith.index_cast %scan3A_211 : i32 to index
      %swap3A_245 = arith.constant 96 : index
      %swap3A_246 = tpu.vector_load %arg11[%swap3A_243, %swap3A_244, %swap3A_245] {strides = array<i32>} : memref<2x128x128xf32, #tpu.memory_space<vmem>>, vector<16xf32>,
      tpu.vector_store %arg11[%swap3A_243, %swap3A_244, %swap3A_245], %broadcast_in_dim3A_0 {strides = array<i32>} : memref<2x128x128xf32, #tpu.memory_space<vmem>>, vector<16xf32>,
      %swap3A_247 = arith.constant 0 : i32
      %swap3A_248 = arith.index_cast %swap3A_247 : i32 to index
      %swap3A_249 = arith.index_cast %scan3A_211 : i32 to index
      %swap3A_250 = arith.constant 112 : index
      %swap3A_251 = tpu.vector_load %arg11[%swap3A_248, %swap3A_249, %swap3A_250] {strides = array<i32>} : memref<2x128x128xf32, #tpu.memory_space<vmem>>, vector<16xf32>,
      tpu.vector_store %arg11[%swap3A_248, %swap3A_249, %swap3A_250], %broadcast_in_dim3A_0 {strides = array<i32>} : memref<2x128x128xf32, #tpu.memory_space<vmem>>, vector<16xf32>,
      %scan3A_252 = arith.constant 0 : i32
      scf.yield %scan3A_252 : i32
    }
    %scan3A_6 = arith.constant 128 : i32
    %scan3A_7 = arith.constant 0 : i32
    %scan3A_8 = arith.constant 0 : i32
    %scan3A_9 = arith.constant 8 : i32
    %scan3A_10 = arith.addi %scan3A_8, %scan3A_9 : i32
    %scan3A_11 = arith.constant 1 : i32
    %scan3A_12 = scf.for %scan3A_211 = %scan3A_8 to %scan3A_10 step %scan3A_11 iter_args(%scan3A_212 = %scan3A_7) -> (i32)  : i32 {
      %mul3A_213 = arith.constant 16 : i32
      %mul3A_214 = arith.muli %scan3A_211, %mul3A_213 : i32
      %swap3A = arith.constant 0 : i32
      %swap3A_215 = arith.index_cast %swap3A : i32 to index
      %swap3A_216 = arith.index_cast %mul3A_214 : i32 to index
      %swap3A_217 = tpu.vector_load %arg10[%swap3A_215, %swap3A_216] {strides = array<i32>} : memref<2x128xf32, #tpu.memory_space<vmem>>, vector<16xf32>,
      tpu.vector_store %arg10[%swap3A_215, %swap3A_216], %broadcast_in_dim3A_0 {strides = array<i32>} : memref<2x128xf32, #tpu.memory_space<vmem>>, vector<16xf32>,
      %scan3A_218 = arith.constant 0 : i32
      scf.yield %scan3A_218 : i32
    }
    %scan3A_13 = arith.constant 8 : i32
    %mul3A = arith.constant 640 : i32
    %mul3A_14 = arith.muli %arg1, %mul3A : i32
    %add3A = arith.constant 0 : i32
    %add3A_15 = arith.addi %mul3A_14, %add3A : i32
    %run_scoped3A = arith.constant 0 : i32
    "tpu.region"() ({
      %run_scoped3A_211 = tpu.sem_alloc : memref<!tpu.dma_semaphore, #tpu.memory_space<semaphore_mem>>
      %dma_start3A_212 = arith.constant 0 : i32
      %dma_start3A_213 = arith.constant 0 : i32
      %dma_start3A_214 = tpu.memref_slice %arg11[%run_scoped3A, %dma_start3A_212, %dma_start3A_213] : memref<2x128x128xf32, #tpu.memory_space<vmem>> -> memref<1x128x128xf32, #tpu.memory_space<vmem>>
      %dma_start3A_215 = tpu.memref_squeeze %dma_start3A_214 : memref<1x128x128xf32, #tpu.memory_space<vmem>> -> memref<128x128xf32, #tpu.memory_space<vmem>>
      %dma_start3A_216 = arith.constant 0 : i32
      %dma_start3A_217 = tpu.memref_slice %arg12[%add3A_15, %dma_start3A_216] : memref<10240x128xf32, #tpu.memory_space<vmem_shared>> -> memref<128x128xf32, #tpu.memory_space<vmem_shared>>
      %dma_start3A_218 = arith.constant 0 : i32
      %dma_start3A_219 = tpu.memref_slice %arg12[%add3A_15, %dma_start3A_218] : memref<10240x128xf32, #tpu.memory_space<vmem_shared>> -> memref<128x128xf32, #tpu.memory_space<vmem_shared>>
      %dma_start3A_220 = arith.constant 0 : i32
      %dma_start3A_221 = arith.constant 0 : i32
      %dma_start3A_222 = tpu.memref_slice %arg11[%run_scoped3A, %dma_start3A_220, %dma_start3A_221] : memref<2x128x128xf32, #tpu.memory_space<vmem>> -> memref<1x128x128xf32, #tpu.memory_space<vmem>>
      %dma_start3A_223 = tpu.memref_squeeze %dma_start3A_222 : memref<1x128x128xf32, #tpu.memory_space<vmem>> -> memref<128x128xf32, #tpu.memory_space<vmem>>
      tpu.enqueue_dma source(%dma_start3A_223 : memref<128x128xf32, #tpu.memory_space<vmem>>) target(%dma_start3A_219 : memref<128x128xf32, #tpu.memory_space<vmem_shared>>) target_semaphore(%run_scoped3A_211 : memref<!tpu.dma_semaphore, #tpu.memory_space<semaphore_mem>>)
      %dma_wait3A_224 = arith.constant 0 : i32
      %dma_wait3A_225 = arith.constant 0 : i32
      %dma_wait3A_226 = tpu.memref_slice %arg11[%run_scoped3A, %dma_wait3A_224, %dma_wait3A_225] : memref<2x128x128xf32, #tpu.memory_space<vmem>> -> memref<1x128x128xf32, #tpu.memory_space<vmem>>
      %dma_wait3A_227 = tpu.memref_squeeze %dma_wait3A_226 : memref<1x128x128xf32, #tpu.memory_space<vmem>> -> memref<128x128xf32, #tpu.memory_space<vmem>>
      %dma_wait3A_228 = arith.constant 0 : i32
      %dma_wait3A_229 = tpu.memref_slice %arg12[%add3A_15, %dma_wait3A_228] : memref<10240x128xf32, #tpu.memory_space<vmem_shared>> -> memref<128x128xf32, #tpu.memory_space<vmem_shared>>
      %dma_wait3A_230 = arith.constant 0 : i32
      %dma_wait3A_231 = tpu.memref_slice %arg12[%add3A_15, %dma_wait3A_230] : memref<10240x128xf32, #tpu.memory_space<vmem_shared>> -> memref<128x128xf32, #tpu.memory_space<vmem_shared>>
      %dma_wait3A_232 = arith.constant 0 : i32
      %dma_wait3A_233 = arith.constant 0 : i32
      %dma_wait3A_234 = tpu.memref_slice %arg11[%run_scoped3A, %dma_wait3A_232, %dma_wait3A_233] : memref<2x128x128xf32, #tpu.memory_space<vmem>> -> memref<1x128x128xf32, #tpu.memory_space<vmem>>
      %dma_wait3A_235 = tpu.memref_squeeze %dma_wait3A_234 : memref<1x128x128xf32, #tpu.memory_space<vmem>> -> memref<128x128xf32, #tpu.memory_space<vmem>>
      tpu.wait_dma2 semaphore(%run_scoped3A_211 : memref<!tpu.dma_semaphore, #tpu.memory_space<semaphore_mem>>) src(%dma_wait3A_235 : memref<128x128xf32, #tpu.memory_space<vmem>>) dst(%dma_wait3A_231 : memref<128x128xf32, #tpu.memory_space<vmem_shared>>)
      tpu.yield
    }) : () -> ()
    %add3A_16 = arith.constant 128 : i32
    %add3A_17 = arith.addi %mul3A_14, %add3A_16 : i32
    %run_scoped3A_18 = arith.constant 0 : i32
    "tpu.region"() ({
      %run_scoped3A_211 = tpu.sem_alloc : memref<!tpu.dma_semaphore, #tpu.memory_space<semaphore_mem>>
      %dma_start3A_212 = arith.constant 0 : i32
      %dma_start3A_213 = arith.constant 0 : i32
      %dma_start3A_214 = tpu.memref_slice %arg11[%run_scoped3A_18, %dma_start3A_212, %dma_start3A_213] : memref<2x128x128xf32, #tpu.memory_space<vmem>> -> memref<1x128x128xf32, #tpu.memory_space<vmem>>
      %dma_start3A_215 = tpu.memref_squeeze %dma_start3A_214 : memref<1x128x128xf32, #tpu.memory_space<vmem>> -> memref<128x128xf32, #tpu.memory_space<vmem>>
      %dma_start3A_216 = arith.constant 0 : i32
      %dma_start3A_217 = tpu.memref_slice %arg12[%add3A_17, %dma_start3A_216] : memref<10240x128xf32, #tpu.memory_space<vmem_shared>> -> memref<128x128xf32, #tpu.memory_space<vmem_shared>>
      %dma_start3A_218 = arith.constant 0 : i32
      %dma_start3A_219 = tpu.memref_slice %arg12[%add3A_17, %dma_start3A_218] : memref<10240x128xf32, #tpu.memory_space<vmem_shared>> -> memref<128x128xf32, #tpu.memory_space<vmem_shared>>
      %dma_start3A_220 = arith.constant 0 : i32
      %dma_start3A_221 = arith.constant 0 : i32
      %dma_start3A_222 = tpu.memref_slice %arg11[%run_scoped3A_18, %dma_start3A_220, %dma_start3A_221] : memref<2x128x128xf32, #tpu.memory_space<vmem>> -> memref<1x128x128xf32, #tpu.memory_space<vmem>>
      %dma_start3A_223 = tpu.memref_squeeze %dma_start3A_222 : memref<1x128x128xf32, #tpu.memory_space<vmem>> -> memref<128x128xf32, #tpu.memory_space<vmem>>
      tpu.enqueue_dma source(%dma_start3A_223 : memref<128x128xf32, #tpu.memory_space<vmem>>) target(%dma_start3A_219 : memref<128x128xf32, #tpu.memory_space<vmem_shared>>) target_semaphore(%run_scoped3A_211 : memref<!tpu.dma_semaphore, #tpu.memory_space<semaphore_mem>>)
      %dma_wait3A_224 = arith.constant 0 : i32
      %dma_wait3A_225 = arith.constant 0 : i32
      %dma_wait3A_226 = tpu.memref_slice %arg11[%run_scoped3A_18, %dma_wait3A_224, %dma_wait3A_225] : memref<2x128x128xf32, #tpu.memory_space<vmem>> -> memref<1x128x128xf32, #tpu.memory_space<vmem>>
      %dma_wait3A_227 = tpu.memref_squeeze %dma_wait3A_226 : memref<1x128x128xf32, #tpu.memory_space<vmem>> -> memref<128x128xf32, #tpu.memory_space<vmem>>
      %dma_wait3A_228 = arith.constant 0 : i32
      %dma_wait3A_229 = tpu.memref_slice %arg12[%add3A_17, %dma_wait3A_228] : memref<10240x128xf32, #tpu.memory_space<vmem_shared>> -> memref<128x128xf32, #tpu.memory_space<vmem_shared>>
      %dma_wait3A_230 = arith.constant 0 : i32
      %dma_wait3A_231 = tpu.memref_slice %arg12[%add3A_17, %dma_wait3A_230] : memref<10240x128xf32, #tpu.memory_space<vmem_shared>> -> memref<128x128xf32, #tpu.memory_space<vmem_shared>>
      %dma_wait3A_232 = arith.constant 0 : i32
      %dma_wait3A_233 = arith.constant 0 : i32
      %dma_wait3A_234 = tpu.memref_slice %arg11[%run_scoped3A_18, %dma_wait3A_232, %dma_wait3A_233] : memref<2x128x128xf32, #tpu.memory_space<vmem>> -> memref<1x128x128xf32, #tpu.memory_space<vmem>>
      %dma_wait3A_235 = tpu.memref_squeeze %dma_wait3A_234 : memref<1x128x128xf32, #tpu.memory_space<vmem>> -> memref<128x128xf32, #tpu.memory_space<vmem>>
      tpu.wait_dma2 semaphore(%run_scoped3A_211 : memref<!tpu.dma_semaphore, #tpu.memory_space<semaphore_mem>>) src(%dma_wait3A_235 : memref<128x128xf32, #tpu.memory_space<vmem>>) dst(%dma_wait3A_231 : memref<128x128xf32, #tpu.memory_space<vmem_shared>>)
      tpu.yield
    }) : () -> ()
    %add3A_19 = arith.constant 256 : i32
    %add3A_20 = arith.addi %mul3A_14, %add3A_19 : i32
    %run_scoped3A_21 = arith.constant 0 : i32
    "tpu.region"() ({
      %run_scoped3A_211 = tpu.sem_alloc : memref<!tpu.dma_semaphore, #tpu.memory_space<semaphore_mem>>
      %dma_start3A_212 = arith.constant 0 : i32
      %dma_start3A_213 = arith.constant 0 : i32
      %dma_start3A_214 = tpu.memref_slice %arg11[%run_scoped3A_21, %dma_start3A_212, %dma_start3A_213] : memref<2x128x128xf32, #tpu.memory_space<vmem>> -> memref<1x128x128xf32, #tpu.memory_space<vmem>>
      %dma_start3A_215 = tpu.memref_squeeze %dma_start3A_214 : memref<1x128x128xf32, #tpu.memory_space<vmem>> -> memref<128x128xf32, #tpu.memory_space<vmem>>
      %dma_start3A_216 = arith.constant 0 : i32
      %dma_start3A_217 = tpu.memref_slice %arg12[%add3A_20, %dma_start3A_216] : memref<10240x128xf32, #tpu.memory_space<vmem_shared>> -> memref<128x128xf32, #tpu.memory_space<vmem_shared>>
      %dma_start3A_218 = arith.constant 0 : i32
      %dma_start3A_219 = tpu.memref_slice %arg12[%add3A_20, %dma_start3A_218] : memref<10240x128xf32, #tpu.memory_space<vmem_shared>> -> memref<128x128xf32, #tpu.memory_space<vmem_shared>>
      %dma_start3A_220 = arith.constant 0 : i32
      %dma_start3A_221 = arith.constant 0 : i32
      %dma_start3A_222 = tpu.memref_slice %arg11[%run_scoped3A_21, %dma_start3A_220, %dma_start3A_221] : memref<2x128x128xf32, #tpu.memory_space<vmem>> -> memref<1x128x128xf32, #tpu.memory_space<vmem>>
      %dma_start3A_223 = tpu.memref_squeeze %dma_start3A_222 : memref<1x128x128xf32, #tpu.memory_space<vmem>> -> memref<128x128xf32, #tpu.memory_space<vmem>>
      tpu.enqueue_dma source(%dma_start3A_223 : memref<128x128xf32, #tpu.memory_space<vmem>>) target(%dma_start3A_219 : memref<128x128xf32, #tpu.memory_space<vmem_shared>>) target_semaphore(%run_scoped3A_211 : memref<!tpu.dma_semaphore, #tpu.memory_space<semaphore_mem>>)
      %dma_wait3A_224 = arith.constant 0 : i32
      %dma_wait3A_225 = arith.constant 0 : i32
      %dma_wait3A_226 = tpu.memref_slice %arg11[%run_scoped3A_21, %dma_wait3A_224, %dma_wait3A_225] : memref<2x128x128xf32, #tpu.memory_space<vmem>> -> memref<1x128x128xf32, #tpu.memory_space<vmem>>
      %dma_wait3A_227 = tpu.memref_squeeze %dma_wait3A_226 : memref<1x128x128xf32, #tpu.memory_space<vmem>> -> memref<128x128xf32, #tpu.memory_space<vmem>>
      %dma_wait3A_228 = arith.constant 0 : i32
      %dma_wait3A_229 = tpu.memref_slice %arg12[%add3A_20, %dma_wait3A_228] : memref<10240x128xf32, #tpu.memory_space<vmem_shared>> -> memref<128x128xf32, #tpu.memory_space<vmem_shared>>
      %dma_wait3A_230 = arith.constant 0 : i32
      %dma_wait3A_231 = tpu.memref_slice %arg12[%add3A_20, %dma_wait3A_230] : memref<10240x128xf32, #tpu.memory_space<vmem_shared>> -> memref<128x128xf32, #tpu.memory_space<vmem_shared>>
      %dma_wait3A_232 = arith.constant 0 : i32
      %dma_wait3A_233 = arith.constant 0 : i32
      %dma_wait3A_234 = tpu.memref_slice %arg11[%run_scoped3A_21, %dma_wait3A_232, %dma_wait3A_233] : memref<2x128x128xf32, #tpu.memory_space<vmem>> -> memref<1x128x128xf32, #tpu.memory_space<vmem>>
      %dma_wait3A_235 = tpu.memref_squeeze %dma_wait3A_234 : memref<1x128x128xf32, #tpu.memory_space<vmem>> -> memref<128x128xf32, #tpu.memory_space<vmem>>
      tpu.wait_dma2 semaphore(%run_scoped3A_211 : memref<!tpu.dma_semaphore, #tpu.memory_space<semaphore_mem>>) src(%dma_wait3A_235 : memref<128x128xf32, #tpu.memory_space<vmem>>) dst(%dma_wait3A_231 : memref<128x128xf32, #tpu.memory_space<vmem_shared>>)
      tpu.yield
    }) : () -> ()
    %add3A_22 = arith.constant 384 : i32
    %add3A_23 = arith.addi %mul3A_14, %add3A_22 : i32
    %run_scoped3A_24 = arith.constant 0 : i32
    "tpu.region"() ({
      %run_scoped3A_211 = tpu.sem_alloc : memref<!tpu.dma_semaphore, #tpu.memory_space<semaphore_mem>>
      %dma_start3A_212 = arith.constant 0 : i32
      %dma_start3A_213 = arith.constant 0 : i32
      %dma_start3A_214 = tpu.memref_slice %arg11[%run_scoped3A_24, %dma_start3A_212, %dma_start3A_213] : memref<2x128x128xf32, #tpu.memory_space<vmem>> -> memref<1x128x128xf32, #tpu.memory_space<vmem>>
      %dma_start3A_215 = tpu.memref_squeeze %dma_start3A_214 : memref<1x128x128xf32, #tpu.memory_space<vmem>> -> memref<128x128xf32, #tpu.memory_space<vmem>>
      %dma_start3A_216 = arith.constant 0 : i32
      %dma_start3A_217 = tpu.memref_slice %arg12[%add3A_23, %dma_start3A_216] : memref<10240x128xf32, #tpu.memory_space<vmem_shared>> -> memref<128x128xf32, #tpu.memory_space<vmem_shared>>
      %dma_start3A_218 = arith.constant 0 : i32
      %dma_start3A_219 = tpu.memref_slice %arg12[%add3A_23, %dma_start3A_218] : memref<10240x128xf32, #tpu.memory_space<vmem_shared>> -> memref<128x128xf32, #tpu.memory_space<vmem_shared>>
      %dma_start3A_220 = arith.constant 0 : i32
      %dma_start3A_221 = arith.constant 0 : i32
      %dma_start3A_222 = tpu.memref_slice %arg11[%run_scoped3A_24, %dma_start3A_220, %dma_start3A_221] : memref<2x128x128xf32, #tpu.memory_space<vmem>> -> memref<1x128x128xf32, #tpu.memory_space<vmem>>
      %dma_start3A_223 = tpu.memref_squeeze %dma_start3A_222 : memref<1x128x128xf32, #tpu.memory_space<vmem>> -> memref<128x128xf32, #tpu.memory_space<vmem>>
      tpu.enqueue_dma source(%dma_start3A_223 : memref<128x128xf32, #tpu.memory_space<vmem>>) target(%dma_start3A_219 : memref<128x128xf32, #tpu.memory_space<vmem_shared>>) target_semaphore(%run_scoped3A_211 : memref<!tpu.dma_semaphore, #tpu.memory_space<semaphore_mem>>)
      %dma_wait3A_224 = arith.constant 0 : i32
      %dma_wait3A_225 = arith.constant 0 : i32
      %dma_wait3A_226 = tpu.memref_slice %arg11[%run_scoped3A_24, %dma_wait3A_224, %dma_wait3A_225] : memref<2x128x128xf32, #tpu.memory_space<vmem>> -> memref<1x128x128xf32, #tpu.memory_space<vmem>>
      %dma_wait3A_227 = tpu.memref_squeeze %dma_wait3A_226 : memref<1x128x128xf32, #tpu.memory_space<vmem>> -> memref<128x128xf32, #tpu.memory_space<vmem>>
      %dma_wait3A_228 = arith.constant 0 : i32
      %dma_wait3A_229 = tpu.memref_slice %arg12[%add3A_23, %dma_wait3A_228] : memref<10240x128xf32, #tpu.memory_space<vmem_shared>> -> memref<128x128xf32, #tpu.memory_space<vmem_shared>>
      %dma_wait3A_230 = arith.constant 0 : i32
      %dma_wait3A_231 = tpu.memref_slice %arg12[%add3A_23, %dma_wait3A_230] : memref<10240x128xf32, #tpu.memory_space<vmem_shared>> -> memref<128x128xf32, #tpu.memory_space<vmem_shared>>
      %dma_wait3A_232 = arith.constant 0 : i32
      %dma_wait3A_233 = arith.constant 0 : i32
      %dma_wait3A_234 = tpu.memref_slice %arg11[%run_scoped3A_24, %dma_wait3A_232, %dma_wait3A_233] : memref<2x128x128xf32, #tpu.memory_space<vmem>> -> memref<1x128x128xf32, #tpu.memory_space<vmem>>
      %dma_wait3A_235 = tpu.memref_squeeze %dma_wait3A_234 : memref<1x128x128xf32, #tpu.memory_space<vmem>> -> memref<128x128xf32, #tpu.memory_space<vmem>>
      tpu.wait_dma2 semaphore(%run_scoped3A_211 : memref<!tpu.dma_semaphore, #tpu.memory_space<semaphore_mem>>) src(%dma_wait3A_235 : memref<128x128xf32, #tpu.memory_space<vmem>>) dst(%dma_wait3A_231 : memref<128x128xf32, #tpu.memory_space<vmem_shared>>)
      tpu.yield
    }) : () -> ()
    %add3A_25 = arith.constant 512 : i32
    %add3A_26 = arith.addi %mul3A_14, %add3A_25 : i32
    %run_scoped3A_27 = arith.constant 0 : i32
    "tpu.region"() ({
      %run_scoped3A_211 = tpu.sem_alloc : memref<!tpu.dma_semaphore, #tpu.memory_space<semaphore_mem>>
      %dma_start3A_212 = arith.constant 0 : i32
      %dma_start3A_213 = arith.constant 0 : i32
      %dma_start3A_214 = tpu.memref_slice %arg11[%run_scoped3A_27, %dma_start3A_212, %dma_start3A_213] : memref<2x128x128xf32, #tpu.memory_space<vmem>> -> memref<1x128x128xf32, #tpu.memory_space<vmem>>
      %dma_start3A_215 = tpu.memref_squeeze %dma_start3A_214 : memref<1x128x128xf32, #tpu.memory_space<vmem>> -> memref<128x128xf32, #tpu.memory_space<vmem>>
      %dma_start3A_216 = arith.constant 0 : i32
      %dma_start3A_217 = tpu.memref_slice %arg12[%add3A_26, %dma_start3A_216] : memref<10240x128xf32, #tpu.memory_space<vmem_shared>> -> memref<128x128xf32, #tpu.memory_space<vmem_shared>>
      %dma_start3A_218 = arith.constant 0 : i32
      %dma_start3A_219 = tpu.memref_slice %arg12[%add3A_26, %dma_start3A_218] : memref<10240x128xf32, #tpu.memory_space<vmem_shared>> -> memref<128x128xf32, #tpu.memory_space<vmem_shared>>
      %dma_start3A_220 = arith.constant 0 : i32
      %dma_start3A_221 = arith.constant 0 : i32
      %dma_start3A_222 = tpu.memref_slice %arg11[%run_scoped3A_27, %dma_start3A_220, %dma_start3A_221] : memref<2x128x128xf32, #tpu.memory_space<vmem>> -> memref<1x128x128xf32, #tpu.memory_space<vmem>>
      %dma_start3A_223 = tpu.memref_squeeze %dma_start3A_222 : memref<1x128x128xf32, #tpu.memory_space<vmem>> -> memref<128x128xf32, #tpu.memory_space<vmem>>
      tpu.enqueue_dma source(%dma_start3A_223 : memref<128x128xf32, #tpu.memory_space<vmem>>) target(%dma_start3A_219 : memref<128x128xf32, #tpu.memory_space<vmem_shared>>) target_semaphore(%run_scoped3A_211 : memref<!tpu.dma_semaphore, #tpu.memory_space<semaphore_mem>>)
      %dma_wait3A_224 = arith.constant 0 : i32
      %dma_wait3A_225 = arith.constant 0 : i32
      %dma_wait3A_226 = tpu.memref_slice %arg11[%run_scoped3A_27, %dma_wait3A_224, %dma_wait3A_225] : memref<2x128x128xf32, #tpu.memory_space<vmem>> -> memref<1x128x128xf32, #tpu.memory_space<vmem>>
      %dma_wait3A_227 = tpu.memref_squeeze %dma_wait3A_226 : memref<1x128x128xf32, #tpu.memory_space<vmem>> -> memref<128x128xf32, #tpu.memory_space<vmem>>
      %dma_wait3A_228 = arith.constant 0 : i32
      %dma_wait3A_229 = tpu.memref_slice %arg12[%add3A_26, %dma_wait3A_228] : memref<10240x128xf32, #tpu.memory_space<vmem_shared>> -> memref<128x128xf32, #tpu.memory_space<vmem_shared>>
      %dma_wait3A_230 = arith.constant 0 : i32
      %dma_wait3A_231 = tpu.memref_slice %arg12[%add3A_26, %dma_wait3A_230] : memref<10240x128xf32, #tpu.memory_space<vmem_shared>> -> memref<128x128xf32, #tpu.memory_space<vmem_shared>>
      %dma_wait3A_232 = arith.constant 0 : i32
      %dma_wait3A_233 = arith.constant 0 : i32
      %dma_wait3A_234 = tpu.memref_slice %arg11[%run_scoped3A_27, %dma_wait3A_232, %dma_wait3A_233] : memref<2x128x128xf32, #tpu.memory_space<vmem>> -> memref<1x128x128xf32, #tpu.memory_space<vmem>>
      %dma_wait3A_235 = tpu.memref_squeeze %dma_wait3A_234 : memref<1x128x128xf32, #tpu.memory_space<vmem>> -> memref<128x128xf32, #tpu.memory_space<vmem>>
      tpu.wait_dma2 semaphore(%run_scoped3A_211 : memref<!tpu.dma_semaphore, #tpu.memory_space<semaphore_mem>>) src(%dma_wait3A_235 : memref<128x128xf32, #tpu.memory_space<vmem>>) dst(%dma_wait3A_231 : memref<128x128xf32, #tpu.memory_space<vmem_shared>>)
      tpu.yield
    }) : () -> ()
    %mul3A_28 = arith.constant 640 : i32
    %mul3A_29 = arith.muli %arg1, %mul3A_28 : i32
    %add3A_30 = arith.constant 0 : i32
    %add3A_31 = arith.addi %mul3A_29, %add3A_30 : i32
    %run_scoped3A_32 = arith.constant 0 : i32
    "tpu.region"() ({
      %run_scoped3A_211 = tpu.sem_alloc : memref<!tpu.dma_semaphore, #tpu.memory_space<semaphore_mem>>
      %dma_start3A_212 = arith.constant 0 : i32
      %dma_start3A_213 = tpu.memref_slice %arg10[%run_scoped3A_32, %dma_start3A_212] : memref<2x128xf32, #tpu.memory_space<vmem>> -> memref<1x128xf32, #tpu.memory_space<vmem>>
      %dma_start3A_214 = tpu.memref_squeeze %dma_start3A_213 : memref<1x128xf32, #tpu.memory_space<vmem>> -> memref<128xf32, #tpu.memory_space<vmem>>
      %dma_start3A_215 = tpu.memref_slice %arg13[%add3A_31] : memref<10240xf32, #tpu.memory_space<vmem_shared>> -> memref<128xf32, #tpu.memory_space<vmem_shared>>
      %dma_start3A_216 = tpu.memref_slice %arg13[%add3A_31] : memref<10240xf32, #tpu.memory_space<vmem_shared>> -> memref<128xf32, #tpu.memory_space<vmem_shared>>
      %dma_start3A_217 = arith.constant 0 : i32
      %dma_start3A_218 = tpu.memref_slice %arg10[%run_scoped3A_32, %dma_start3A_217] : memref<2x128xf32, #tpu.memory_space<vmem>> -> memref<1x128xf32, #tpu.memory_space<vmem>>
      %dma_start3A_219 = tpu.memref_squeeze %dma_start3A_218 : memref<1x128xf32, #tpu.memory_space<vmem>> -> memref<128xf32, #tpu.memory_space<vmem>>
      tpu.enqueue_dma source(%dma_start3A_219 : memref<128xf32, #tpu.memory_space<vmem>>) target(%dma_start3A_216 : memref<128xf32, #tpu.memory_space<vmem_shared>>) target_semaphore(%run_scoped3A_211 : memref<!tpu.dma_semaphore, #tpu.memory_space<semaphore_mem>>)
      %dma_wait3A_220 = arith.constant 0 : i32
      %dma_wait3A_221 = tpu.memref_slice %arg10[%run_scoped3A_32, %dma_wait3A_220] : memref<2x128xf32, #tpu.memory_space<vmem>> -> memref<1x128xf32, #tpu.memory_space<vmem>>
      %dma_wait3A_222 = tpu.memref_squeeze %dma_wait3A_221 : memref<1x128xf32, #tpu.memory_space<vmem>> -> memref<128xf32, #tpu.memory_space<vmem>>
      %dma_wait3A_223 = tpu.memref_slice %arg13[%add3A_31] : memref<10240xf32, #tpu.memory_space<vmem_shared>> -> memref<128xf32, #tpu.memory_space<vmem_shared>>
      %dma_wait3A_224 = tpu.memref_slice %arg13[%add3A_31] : memref<10240xf32, #tpu.memory_space<vmem_shared>> -> memref<128xf32, #tpu.memory_space<vmem_shared>>
      %dma_wait3A_225 = arith.constant 0 : i32
      %dma_wait3A_226 = tpu.memref_slice %arg10[%run_scoped3A_32, %dma_wait3A_225] : memref<2x128xf32, #tpu.memory_space<vmem>> -> memref<1x128xf32, #tpu.memory_space<vmem>>
      %dma_wait3A_227 = tpu.memref_squeeze %dma_wait3A_226 : memref<1x128xf32, #tpu.memory_space<vmem>> -> memref<128xf32, #tpu.memory_space<vmem>>
      tpu.wait_dma2 semaphore(%run_scoped3A_211 : memref<!tpu.dma_semaphore, #tpu.memory_space<semaphore_mem>>) src(%dma_wait3A_227 : memref<128xf32, #tpu.memory_space<vmem>>) dst(%dma_wait3A_224 : memref<128xf32, #tpu.memory_space<vmem_shared>>)
      tpu.yield
    }) : () -> ()
    %mul3A_33 = arith.constant 640 : i32
    %mul3A_34 = arith.muli %arg1, %mul3A_33 : i32
    %add3A_35 = arith.constant 128 : i32
    %add3A_36 = arith.addi %mul3A_34, %add3A_35 : i32
    %run_scoped3A_37 = arith.constant 0 : i32
    "tpu.region"() ({
      %run_scoped3A_211 = tpu.sem_alloc : memref<!tpu.dma_semaphore, #tpu.memory_space<semaphore_mem>>
      %dma_start3A_212 = arith.constant 0 : i32
      %dma_start3A_213 = tpu.memref_slice %arg10[%run_scoped3A_37, %dma_start3A_212] : memref<2x128xf32, #tpu.memory_space<vmem>> -> memref<1x128xf32, #tpu.memory_space<vmem>>
      %dma_start3A_214 = tpu.memref_squeeze %dma_start3A_213 : memref<1x128xf32, #tpu.memory_space<vmem>> -> memref<128xf32, #tpu.memory_space<vmem>>
      %dma_start3A_215 = tpu.memref_slice %arg13[%add3A_36] : memref<10240xf32, #tpu.memory_space<vmem_shared>> -> memref<128xf32, #tpu.memory_space<vmem_shared>>
      %dma_start3A_216 = tpu.memref_slice %arg13[%add3A_36] : memref<10240xf32, #tpu.memory_space<vmem_shared>> -> memref<128xf32, #tpu.memory_space<vmem_shared>>
      %dma_start3A_217 = arith.constant 0 : i32
      %dma_start3A_218 = tpu.memref_slice %arg10[%run_scoped3A_37, %dma_start3A_217] : memref<2x128xf32, #tpu.memory_space<vmem>> -> memref<1x128xf32, #tpu.memory_space<vmem>>
      %dma_start3A_219 = tpu.memref_squeeze %dma_start3A_218 : memref<1x128xf32, #tpu.memory_space<vmem>> -> memref<128xf32, #tpu.memory_space<vmem>>
      tpu.enqueue_dma source(%dma_start3A_219 : memref<128xf32, #tpu.memory_space<vmem>>) target(%dma_start3A_216 : memref<128xf32, #tpu.memory_space<vmem_shared>>) target_semaphore(%run_scoped3A_211 : memref<!tpu.dma_semaphore, #tpu.memory_space<semaphore_mem>>)
      %dma_wait3A_220 = arith.constant 0 : i32
      %dma_wait3A_221 = tpu.memref_slice %arg10[%run_scoped3A_37, %dma_wait3A_220] : memref<2x128xf32, #tpu.memory_space<vmem>> -> memref<1x128xf32, #tpu.memory_space<vmem>>
      %dma_wait3A_222 = tpu.memref_squeeze %dma_wait3A_221 : memref<1x128xf32, #tpu.memory_space<vmem>> -> memref<128xf32, #tpu.memory_space<vmem>>
      %dma_wait3A_223 = tpu.memref_slice %arg13[%add3A_36] : memref<10240xf32, #tpu.memory_space<vmem_shared>> -> memref<128xf32, #tpu.memory_space<vmem_shared>>
      %dma_wait3A_224 = tpu.memref_slice %arg13[%add3A_36] : memref<10240xf32, #tpu.memory_space<vmem_shared>> -> memref<128xf32, #tpu.memory_space<vmem_shared>>
      %dma_wait3A_225 = arith.constant 0 : i32
      %dma_wait3A_226 = tpu.memref_slice %arg10[%run_scoped3A_37, %dma_wait3A_225] : memref<2x128xf32, #tpu.memory_space<vmem>> -> memref<1x128xf32, #tpu.memory_space<vmem>>
      %dma_wait3A_227 = tpu.memref_squeeze %dma_wait3A_226 : memref<1x128xf32, #tpu.memory_space<vmem>> -> memref<128xf32, #tpu.memory_space<vmem>>
      tpu.wait_dma2 semaphore(%run_scoped3A_211 : memref<!tpu.dma_semaphore, #tpu.memory_space<semaphore_mem>>) src(%dma_wait3A_227 : memref<128xf32, #tpu.memory_space<vmem>>) dst(%dma_wait3A_224 : memref<128xf32, #tpu.memory_space<vmem_shared>>)
      tpu.yield
    }) : () -> ()
    %mul3A_38 = arith.constant 640 : i32
    %mul3A_39 = arith.muli %arg1, %mul3A_38 : i32
    %add3A_40 = arith.constant 256 : i32
    %add3A_41 = arith.addi %mul3A_39, %add3A_40 : i32
    %run_scoped3A_42 = arith.constant 0 : i32
    "tpu.region"() ({
      %run_scoped3A_211 = tpu.sem_alloc : memref<!tpu.dma_semaphore, #tpu.memory_space<semaphore_mem>>
      %dma_start3A_212 = arith.constant 0 : i32
      %dma_start3A_213 = tpu.memref_slice %arg10[%run_scoped3A_42, %dma_start3A_212] : memref<2x128xf32, #tpu.memory_space<vmem>> -> memref<1x128xf32, #tpu.memory_space<vmem>>
      %dma_start3A_214 = tpu.memref_squeeze %dma_start3A_213 : memref<1x128xf32, #tpu.memory_space<vmem>> -> memref<128xf32, #tpu.memory_space<vmem>>
      %dma_start3A_215 = tpu.memref_slice %arg13[%add3A_41] : memref<10240xf32, #tpu.memory_space<vmem_shared>> -> memref<128xf32, #tpu.memory_space<vmem_shared>>
      %dma_start3A_216 = tpu.memref_slice %arg13[%add3A_41] : memref<10240xf32, #tpu.memory_space<vmem_shared>> -> memref<128xf32, #tpu.memory_space<vmem_shared>>
      %dma_start3A_217 = arith.constant 0 : i32
      %dma_start3A_218 = tpu.memref_slice %arg10[%run_scoped3A_42, %dma_start3A_217] : memref<2x128xf32, #tpu.memory_space<vmem>> -> memref<1x128xf32, #tpu.memory_space<vmem>>
      %dma_start3A_219 = tpu.memref_squeeze %dma_start3A_218 : memref<1x128xf32, #tpu.memory_space<vmem>> -> memref<128xf32, #tpu.memory_space<vmem>>
      tpu.enqueue_dma source(%dma_start3A_219 : memref<128xf32, #tpu.memory_space<vmem>>) target(%dma_start3A_216 : memref<128xf32, #tpu.memory_space<vmem_shared>>) target_semaphore(%run_scoped3A_211 : memref<!tpu.dma_semaphore, #tpu.memory_space<semaphore_mem>>)
      %dma_wait3A_220 = arith.constant 0 : i32
      %dma_wait3A_221 = tpu.memref_slice %arg10[%run_scoped3A_42, %dma_wait3A_220] : memref<2x128xf32, #tpu.memory_space<vmem>> -> memref<1x128xf32, #tpu.memory_space<vmem>>
      %dma_wait3A_222 = tpu.memref_squeeze %dma_wait3A_221 : memref<1x128xf32, #tpu.memory_space<vmem>> -> memref<128xf32, #tpu.memory_space<vmem>>
      %dma_wait3A_223 = tpu.memref_slice %arg13[%add3A_41] : memref<10240xf32, #tpu.memory_space<vmem_shared>> -> memref<128xf32, #tpu.memory_space<vmem_shared>>
      %dma_wait3A_224 = tpu.memref_slice %arg13[%add3A_41] : memref<10240xf32, #tpu.memory_space<vmem_shared>> -> memref<128xf32, #tpu.memory_space<vmem_shared>>
      %dma_wait3A_225 = arith.constant 0 : i32
      %dma_wait3A_226 = tpu.memref_slice %arg10[%run_scoped3A_42, %dma_wait3A_225] : memref<2x128xf32, #tpu.memory_space<vmem>> -> memref<1x128xf32, #tpu.memory_space<vmem>>
      %dma_wait3A_227 = tpu.memref_squeeze %dma_wait3A_226 : memref<1x128xf32, #tpu.memory_space<vmem>> -> memref<128xf32, #tpu.memory_space<vmem>>
      tpu.wait_dma2 semaphore(%run_scoped3A_211 : memref<!tpu.dma_semaphore, #tpu.memory_space<semaphore_mem>>) src(%dma_wait3A_227 : memref<128xf32, #tpu.memory_space<vmem>>) dst(%dma_wait3A_224 : memref<128xf32, #tpu.memory_space<vmem_shared>>)
      tpu.yield
    }) : () -> ()
    %mul3A_43 = arith.constant 640 : i32
    %mul3A_44 = arith.muli %arg1, %mul3A_43 : i32
    %add3A_45 = arith.constant 384 : i32
    %add3A_46 = arith.addi %mul3A_44, %add3A_45 : i32
    %run_scoped3A_47 = arith.constant 0 : i32
    "tpu.region"() ({
      %run_scoped3A_211 = tpu.sem_alloc : memref<!tpu.dma_semaphore, #tpu.memory_space<semaphore_mem>>
      %dma_start3A_212 = arith.constant 0 : i32
      %dma_start3A_213 = tpu.memref_slice %arg10[%run_scoped3A_47, %dma_start3A_212] : memref<2x128xf32, #tpu.memory_space<vmem>> -> memref<1x128xf32, #tpu.memory_space<vmem>>
      %dma_start3A_214 = tpu.memref_squeeze %dma_start3A_213 : memref<1x128xf32, #tpu.memory_space<vmem>> -> memref<128xf32, #tpu.memory_space<vmem>>
      %dma_start3A_215 = tpu.memref_slice %arg13[%add3A_46] : memref<10240xf32, #tpu.memory_space<vmem_shared>> -> memref<128xf32, #tpu.memory_space<vmem_shared>>
      %dma_start3A_216 = tpu.memref_slice %arg13[%add3A_46] : memref<10240xf32, #tpu.memory_space<vmem_shared>> -> memref<128xf32, #tpu.memory_space<vmem_shared>>
      %dma_start3A_217 = arith.constant 0 : i32
      %dma_start3A_218 = tpu.memref_slice %arg10[%run_scoped3A_47, %dma_start3A_217] : memref<2x128xf32, #tpu.memory_space<vmem>> -> memref<1x128xf32, #tpu.memory_space<vmem>>
      %dma_start3A_219 = tpu.memref_squeeze %dma_start3A_218 : memref<1x128xf32, #tpu.memory_space<vmem>> -> memref<128xf32, #tpu.memory_space<vmem>>
      tpu.enqueue_dma source(%dma_start3A_219 : memref<128xf32, #tpu.memory_space<vmem>>) target(%dma_start3A_216 : memref<128xf32, #tpu.memory_space<vmem_shared>>) target_semaphore(%run_scoped3A_211 : memref<!tpu.dma_semaphore, #tpu.memory_space<semaphore_mem>>)
      %dma_wait3A_220 = arith.constant 0 : i32
      %dma_wait3A_221 = tpu.memref_slice %arg10[%run_scoped3A_47, %dma_wait3A_220] : memref<2x128xf32, #tpu.memory_space<vmem>> -> memref<1x128xf32, #tpu.memory_space<vmem>>
      %dma_wait3A_222 = tpu.memref_squeeze %dma_wait3A_221 : memref<1x128xf32, #tpu.memory_space<vmem>> -> memref<128xf32, #tpu.memory_space<vmem>>
      %dma_wait3A_223 = tpu.memref_slice %arg13[%add3A_46] : memref<10240xf32, #tpu.memory_space<vmem_shared>> -> memref<128xf32, #tpu.memory_space<vmem_shared>>
      %dma_wait3A_224 = tpu.memref_slice %arg13[%add3A_46] : memref<10240xf32, #tpu.memory_space<vmem_shared>> -> memref<128xf32, #tpu.memory_space<vmem_shared>>
      %dma_wait3A_225 = arith.constant 0 : i32
      %dma_wait3A_226 = tpu.memref_slice %arg10[%run_scoped3A_47, %dma_wait3A_225] : memref<2x128xf32, #tpu.memory_space<vmem>> -> memref<1x128xf32, #tpu.memory_space<vmem>>
      %dma_wait3A_227 = tpu.memref_squeeze %dma_wait3A_226 : memref<1x128xf32, #tpu.memory_space<vmem>> -> memref<128xf32, #tpu.memory_space<vmem>>
      tpu.wait_dma2 semaphore(%run_scoped3A_211 : memref<!tpu.dma_semaphore, #tpu.memory_space<semaphore_mem>>) src(%dma_wait3A_227 : memref<128xf32, #tpu.memory_space<vmem>>) dst(%dma_wait3A_224 : memref<128xf32, #tpu.memory_space<vmem_shared>>)
      tpu.yield
    }) : () -> ()
    %mul3A_48 = arith.constant 640 : i32
    %mul3A_49 = arith.muli %arg1, %mul3A_48 : i32
    %add3A_50 = arith.constant 512 : i32
    %add3A_51 = arith.addi %mul3A_49, %add3A_50 : i32
    %run_scoped3A_52 = arith.constant 0 : i32
    "tpu.region"() ({
      %run_scoped3A_211 = tpu.sem_alloc : memref<!tpu.dma_semaphore, #tpu.memory_space<semaphore_mem>>
      %dma_start3A_212 = arith.constant 0 : i32
      %dma_start3A_213 = tpu.memref_slice %arg10[%run_scoped3A_52, %dma_start3A_212] : memref<2x128xf32, #tpu.memory_space<vmem>> -> memref<1x128xf32, #tpu.memory_space<vmem>>
      %dma_start3A_214 = tpu.memref_squeeze %dma_start3A_213 : memref<1x128xf32, #tpu.memory_space<vmem>> -> memref<128xf32, #tpu.memory_space<vmem>>
      %dma_start3A_215 = tpu.memref_slice %arg13[%add3A_51] : memref<10240xf32, #tpu.memory_space<vmem_shared>> -> memref<128xf32, #tpu.memory_space<vmem_shared>>
      %dma_start3A_216 = tpu.memref_slice %arg13[%add3A_51] : memref<10240xf32, #tpu.memory_space<vmem_shared>> -> memref<128xf32, #tpu.memory_space<vmem_shared>>
      %dma_start3A_217 = arith.constant 0 : i32
      %dma_start3A_218 = tpu.memref_slice %arg10[%run_scoped3A_52, %dma_start3A_217] : memref<2x128xf32, #tpu.memory_space<vmem>> -> memref<1x128xf32, #tpu.memory_space<vmem>>
      %dma_start3A_219 = tpu.memref_squeeze %dma_start3A_218 : memref<1x128xf32, #tpu.memory_space<vmem>> -> memref<128xf32, #tpu.memory_space<vmem>>
      tpu.enqueue_dma source(%dma_start3A_219 : memref<128xf32, #tpu.memory_space<vmem>>) target(%dma_start3A_216 : memref<128xf32, #tpu.memory_space<vmem_shared>>) target_semaphore(%run_scoped3A_211 : memref<!tpu.dma_semaphore, #tpu.memory_space<semaphore_mem>>)
      %dma_wait3A_220 = arith.constant 0 : i32
      %dma_wait3A_221 = tpu.memref_slice %arg10[%run_scoped3A_52, %dma_wait3A_220] : memref<2x128xf32, #tpu.memory_space<vmem>> -> memref<1x128xf32, #tpu.memory_space<vmem>>
      %dma_wait3A_222 = tpu.memref_squeeze %dma_wait3A_221 : memref<1x128xf32, #tpu.memory_space<vmem>> -> memref<128xf32, #tpu.memory_space<vmem>>
      %dma_wait3A_223 = tpu.memref_slice %arg13[%add3A_51] : memref<10240xf32, #tpu.memory_space<vmem_shared>> -> memref<128xf32, #tpu.memory_space<vmem_shared>>
      %dma_wait3A_224 = tpu.memref_slice %arg13[%add3A_51] : memref<10240xf32, #tpu.memory_space<vmem_shared>> -> memref<128xf32, #tpu.memory_space<vmem_shared>>
      %dma_wait3A_225 = arith.constant 0 : i32
      %dma_wait3A_226 = tpu.memref_slice %arg10[%run_scoped3A_52, %dma_wait3A_225] : memref<2x128xf32, #tpu.memory_space<vmem>> -> memref<1x128xf32, #tpu.memory_space<vmem>>
      %dma_wait3A_227 = tpu.memref_squeeze %dma_wait3A_226 : memref<1x128xf32, #tpu.memory_space<vmem>> -> memref<128xf32, #tpu.memory_space<vmem>>
      tpu.wait_dma2 semaphore(%run_scoped3A_211 : memref<!tpu.dma_semaphore, #tpu.memory_space<semaphore_mem>>) src(%dma_wait3A_227 : memref<128xf32, #tpu.memory_space<vmem>>) dst(%dma_wait3A_224 : memref<128xf32, #tpu.memory_space<vmem_shared>>)
      tpu.yield
    }) : () -> ()
    %barrier3A = arith.constant 0 : index
    tpu.barrier barrier_id(%barrier3A)
    %mul3A_53 = arith.constant 16 : i32
    %mul3A_54 = arith.muli %arg0, %mul3A_53 : i32
    %add3A_55 = arith.addi %mul3A_54, %arg1 : i32
    %mul3A_56 = arith.constant 80 : i32
    %mul3A_57 = arith.muli %add3A_55, %mul3A_56 : i32
    %rem3A = arith.constant 0 : i32
    %rem3A_58 = arith.constant 2 : i32
    %rem3A_59 = arith.remsi %rem3A, %rem3A_58 : i32
    %add3A_60 = arith.constant 0 : i32
    %add3A_61 = arith.addi %mul3A_57, %add3A_60 : i32
    "tpu.region"() ({
      %run_scoped3A_211 = tpu.sem_alloc : memref<!tpu.dma_semaphore, #tpu.memory_space<semaphore_mem>>
      %dma_start3A_212 = arith.constant 0 : i32
      %dma_start3A_213 = arith.constant 0 : i32
      %dma_start3A_214 = tpu.memref_slice %arg8[%rem3A_59, %dma_start3A_212, %dma_start3A_213] : memref<2x8x128xi32, #tpu.memory_space<vmem>> -> memref<1x8x128xi32, #tpu.memory_space<vmem>>
      %dma_start3A_215 = tpu.memref_squeeze %dma_start3A_214 : memref<1x8x128xi32, #tpu.memory_space<vmem>> -> memref<8x128xi32, #tpu.memory_space<vmem>>
      %dma_start3A_216 = arith.constant 0 : i32
      %dma_start3A_217 = tpu.memref_slice %arg2[%add3A_61, %dma_start3A_216] : memref<2560x128xi32, #tpu.memory_space<hbm>> -> memref<8x128xi32, #tpu.memory_space<hbm>>
      %dma_start3A_218 = arith.constant 0 : i32
      %dma_start3A_219 = arith.constant 0 : i32
      %dma_start3A_220 = tpu.memref_slice %arg8[%rem3A_59, %dma_start3A_218, %dma_start3A_219] : memref<2x8x128xi32, #tpu.memory_space<vmem>> -> memref<1x8x128xi32, #tpu.memory_space<vmem>>
      %dma_start3A_221 = tpu.memref_squeeze %dma_start3A_220 : memref<1x8x128xi32, #tpu.memory_space<vmem>> -> memref<8x128xi32, #tpu.memory_space<vmem>>
      %dma_start3A_222 = arith.constant 0 : i32
      %dma_start3A_223 = tpu.memref_slice %arg2[%add3A_61, %dma_start3A_222] : memref<2560x128xi32, #tpu.memory_space<hbm>> -> memref<8x128xi32, #tpu.memory_space<hbm>>
      tpu.enqueue_dma source(%dma_start3A_223 : memref<8x128xi32, #tpu.memory_space<hbm>>) target(%dma_start3A_221 : memref<8x128xi32, #tpu.memory_space<vmem>>) target_semaphore(%run_scoped3A_211 : memref<!tpu.dma_semaphore, #tpu.memory_space<semaphore_mem>>)
      %dma_wait3A_224 = arith.constant 0 : i32
      %dma_wait3A_225 = arith.constant 0 : i32
      %dma_wait3A_226 = tpu.memref_slice %arg8[%rem3A_59, %dma_wait3A_224, %dma_wait3A_225] : memref<2x8x128xi32, #tpu.memory_space<vmem>> -> memref<1x8x128xi32, #tpu.memory_space<vmem>>
      %dma_wait3A_227 = tpu.memref_squeeze %dma_wait3A_226 : memref<1x8x128xi32, #tpu.memory_space<vmem>> -> memref<8x128xi32, #tpu.memory_space<vmem>>
      %dma_wait3A_228 = arith.constant 0 : i32
      %dma_wait3A_229 = tpu.memref_slice %arg2[%add3A_61, %dma_wait3A_228] : memref<2560x128xi32, #tpu.memory_space<hbm>> -> memref<8x128xi32, #tpu.memory_space<hbm>>
      %dma_wait3A_230 = arith.constant 0 : i32
      %dma_wait3A_231 = arith.constant 0 : i32
      %dma_wait3A_232 = tpu.memref_slice %arg8[%rem3A_59, %dma_wait3A_230, %dma_wait3A_231] : memref<2x8x128xi32, #tpu.memory_space<vmem>> -> memref<1x8x128xi32, #tpu.memory_space<vmem>>
      %dma_wait3A_233 = tpu.memref_squeeze %dma_wait3A_232 : memref<1x8x128xi32, #tpu.memory_space<vmem>> -> memref<8x128xi32, #tpu.memory_space<vmem>>
      %dma_wait3A_234 = arith.constant 0 : i32
      %dma_wait3A_235 = tpu.memref_slice %arg2[%add3A_61, %dma_wait3A_234] : memref<2560x128xi32, #tpu.memory_space<hbm>> -> memref<8x128xi32, #tpu.memory_space<hbm>>
      tpu.wait_dma2 semaphore(%run_scoped3A_211 : memref<!tpu.dma_semaphore, #tpu.memory_space<semaphore_mem>>) src(%dma_wait3A_235 : memref<8x128xi32, #tpu.memory_space<hbm>>) dst(%dma_wait3A_233 : memref<8x128xi32, #tpu.memory_space<vmem>>)
      tpu.yield
    }) : () -> ()
    %add3A_62 = arith.constant 0 : i32
    %add3A_63 = arith.addi %mul3A_57, %add3A_62 : i32
    "tpu.region"() ({
      %run_scoped3A_211 = tpu.sem_alloc : memref<!tpu.dma_semaphore, #tpu.memory_space<semaphore_mem>>
      %dma_start3A_212 = arith.constant 0 : i32
      %dma_start3A_213 = arith.constant 0 : i32
      %dma_start3A_214 = tpu.memref_slice %arg9[%rem3A_59, %dma_start3A_212, %dma_start3A_213] : memref<2x8x128xi32, #tpu.memory_space<vmem>> -> memref<1x8x128xi32, #tpu.memory_space<vmem>>
      %dma_start3A_215 = tpu.memref_squeeze %dma_start3A_214 : memref<1x8x128xi32, #tpu.memory_space<vmem>> -> memref<8x128xi32, #tpu.memory_space<vmem>>
      %dma_start3A_216 = arith.constant 0 : i32
      %dma_start3A_217 = tpu.memref_slice %arg3[%add3A_63, %dma_start3A_216] : memref<2560x128xi32, #tpu.memory_space<hbm>> -> memref<8x128xi32, #tpu.memory_space<hbm>>
      %dma_start3A_218 = arith.constant 0 : i32
      %dma_start3A_219 = arith.constant 0 : i32
      %dma_start3A_220 = tpu.memref_slice %arg9[%rem3A_59, %dma_start3A_218, %dma_start3A_219] : memref<2x8x128xi32, #tpu.memory_space<vmem>> -> memref<1x8x128xi32, #tpu.memory_space<vmem>>
      %dma_start3A_221 = tpu.memref_squeeze %dma_start3A_220 : memref<1x8x128xi32, #tpu.memory_space<vmem>> -> memref<8x128xi32, #tpu.memory_space<vmem>>
      %dma_start3A_222 = arith.constant 0 : i32
      %dma_start3A_223 = tpu.memref_slice %arg3[%add3A_63, %dma_start3A_222] : memref<2560x128xi32, #tpu.memory_space<hbm>> -> memref<8x128xi32, #tpu.memory_space<hbm>>
      tpu.enqueue_dma source(%dma_start3A_223 : memref<8x128xi32, #tpu.memory_space<hbm>>) target(%dma_start3A_221 : memref<8x128xi32, #tpu.memory_space<vmem>>) target_semaphore(%run_scoped3A_211 : memref<!tpu.dma_semaphore, #tpu.memory_space<semaphore_mem>>)
      %dma_wait3A_224 = arith.constant 0 : i32
      %dma_wait3A_225 = arith.constant 0 : i32
      %dma_wait3A_226 = tpu.memref_slice %arg9[%rem3A_59, %dma_wait3A_224, %dma_wait3A_225] : memref<2x8x128xi32, #tpu.memory_space<vmem>> -> memref<1x8x128xi32, #tpu.memory_space<vmem>>
      %dma_wait3A_227 = tpu.memref_squeeze %dma_wait3A_226 : memref<1x8x128xi32, #tpu.memory_space<vmem>> -> memref<8x128xi32, #tpu.memory_space<vmem>>
      %dma_wait3A_228 = arith.constant 0 : i32
      %dma_wait3A_229 = tpu.memref_slice %arg3[%add3A_63, %dma_wait3A_228] : memref<2560x128xi32, #tpu.memory_space<hbm>> -> memref<8x128xi32, #tpu.memory_space<hbm>>
      %dma_wait3A_230 = arith.constant 0 : i32
      %dma_wait3A_231 = arith.constant 0 : i32
      %dma_wait3A_232 = tpu.memref_slice %arg9[%rem3A_59, %dma_wait3A_230, %dma_wait3A_231] : memref<2x8x128xi32, #tpu.memory_space<vmem>> -> memref<1x8x128xi32, #tpu.memory_space<vmem>>
      %dma_wait3A_233 = tpu.memref_squeeze %dma_wait3A_232 : memref<1x8x128xi32, #tpu.memory_space<vmem>> -> memref<8x128xi32, #tpu.memory_space<vmem>>
      %dma_wait3A_234 = arith.constant 0 : i32
      %dma_wait3A_235 = tpu.memref_slice %arg3[%add3A_63, %dma_wait3A_234] : memref<2560x128xi32, #tpu.memory_space<hbm>> -> memref<8x128xi32, #tpu.memory_space<hbm>>
      tpu.wait_dma2 semaphore(%run_scoped3A_211 : memref<!tpu.dma_semaphore, #tpu.memory_space<semaphore_mem>>) src(%dma_wait3A_235 : memref<8x128xi32, #tpu.memory_space<hbm>>) dst(%dma_wait3A_233 : memref<8x128xi32, #tpu.memory_space<vmem>>)
      tpu.yield
    }) : () -> ()
    %rem3A_64 = arith.constant 0 : i32
    %rem3A_65 = arith.constant 2 : i32
    %rem3A_66 = arith.remsi %rem3A_64, %rem3A_65 : i32
    %rem3A_67 = arith.constant 0 : i32
    %rem3A_68 = arith.constant 8 : i32
    %rem3A_69 = arith.remsi %rem3A_67, %rem3A_68 : i32
    %dma_start3A = arith.constant 0 : i32
    %dma_start3A_70 = arith.constant 0 : i32
    %dma_start3A_71 = arith.constant 0 : i32
    %dma_start3A_72 = tpu.memref_slice %arg11[%dma_start3A, %dma_start3A_70, %dma_start3A_71] : memref<2x128x128xf32, #tpu.memory_space<vmem>> -> memref<1x128x128xf32, #tpu.memory_space<vmem>>
    %dma_start3A_73 = tpu.memref_squeeze %dma_start3A_72 : memref<1x128x128xf32, #tpu.memory_space<vmem>> -> memref<128x128xf32, #tpu.memory_space<vmem>>
    %dma_start3A_74 = arith.constant 0 : i32
    %dma_start3A_75 = tpu.memref_slice %arg8[%rem3A_66, %rem3A_69, %dma_start3A_74] : memref<2x8x128xi32, #tpu.memory_space<vmem>> -> memref<1x1x128xi32, #tpu.memory_space<vmem>>
    %dma_start3A_76 = tpu.memref_squeeze %dma_start3A_75 : memref<1x1x128xi32, #tpu.memory_space<vmem>> -> memref<128xi32, #tpu.memory_space<vmem>>
    %dma_start3A_77 = arith.constant 0 : i32
    %dma_start3A_78 = arith.constant 0 : i32
    %dma_start3A_79 = tpu.memref_slice %arg5[%dma_start3A_77, %dma_start3A_78] : memref<10000x128xf32, #tpu.memory_space<hbm>> -> memref<10000x128xf32, #tpu.memory_space<hbm>>
    tpu.enqueue_indirect_dma source(%dma_start3A_79 : memref<10000x128xf32, #tpu.memory_space<hbm>>) target(%dma_start3A_73 : memref<128x128xf32, #tpu.memory_space<vmem>>) offsets(%dma_start3A_76 : memref<128xi32, #tpu.memory_space<vmem>>) semaphore(%arg14 : memref<!tpu.dma_semaphore, #tpu.memory_space<semaphore_mem>>)
    %rem3A_80 = arith.constant 0 : i32
    %rem3A_81 = arith.constant 2 : i32
    %rem3A_82 = arith.remsi %rem3A_80, %rem3A_81 : i32
    %rem3A_83 = arith.constant 0 : i32
    %rem3A_84 = arith.constant 8 : i32
    %rem3A_85 = arith.remsi %rem3A_83, %rem3A_84 : i32
    %dma_start3A_86 = arith.constant 0 : i32
    %dma_start3A_87 = arith.constant 0 : i32
    %dma_start3A_88 = tpu.memref_slice %arg10[%dma_start3A_86, %dma_start3A_87] : memref<2x128xf32, #tpu.memory_space<vmem>> -> memref<1x128xf32, #tpu.memory_space<vmem>>
    %dma_start3A_89 = tpu.memref_squeeze %dma_start3A_88 : memref<1x128xf32, #tpu.memory_space<vmem>> -> memref<128xf32, #tpu.memory_space<vmem>>
    %dma_start3A_90 = arith.constant 0 : i32
    %dma_start3A_91 = tpu.memref_slice %arg8[%rem3A_82, %rem3A_85, %dma_start3A_90] : memref<2x8x128xi32, #tpu.memory_space<vmem>> -> memref<1x1x128xi32, #tpu.memory_space<vmem>>
    %dma_start3A_92 = tpu.memref_squeeze %dma_start3A_91 : memref<1x1x128xi32, #tpu.memory_space<vmem>> -> memref<128xi32, #tpu.memory_space<vmem>>
    %dma_start3A_93 = arith.constant 0 : i32
    %dma_start3A_94 = tpu.memref_slice %arg4[%dma_start3A_93] : memref<10000xf32, #tpu.memory_space<hbm>> -> memref<10000xf32, #tpu.memory_space<hbm>>
    tpu.enqueue_indirect_dma source(%dma_start3A_94 : memref<10000xf32, #tpu.memory_space<hbm>>) target(%dma_start3A_89 : memref<128xf32, #tpu.memory_space<vmem>>) offsets(%dma_start3A_92 : memref<128xi32, #tpu.memory_space<vmem>>) semaphore(%arg16 : memref<!tpu.dma_semaphore, #tpu.memory_space<semaphore_mem>>)
    %rem3A_95 = arith.constant 0 : i32
    %rem3A_96 = arith.constant 2 : i32
    %rem3A_97 = arith.remsi %rem3A_95, %rem3A_96 : i32
    %rem3A_98 = arith.constant 1 : i32
    %rem3A_99 = arith.constant 8 : i32
    %rem3A_100 = arith.remsi %rem3A_98, %rem3A_99 : i32
    %dma_start3A_101 = arith.constant 1 : i32
    %dma_start3A_102 = arith.constant 0 : i32
    %dma_start3A_103 = arith.constant 0 : i32
    %dma_start3A_104 = tpu.memref_slice %arg11[%dma_start3A_101, %dma_start3A_102, %dma_start3A_103] : memref<2x128x128xf32, #tpu.memory_space<vmem>> -> memref<1x128x128xf32, #tpu.memory_space<vmem>>
    %dma_start3A_105 = tpu.memref_squeeze %dma_start3A_104 : memref<1x128x128xf32, #tpu.memory_space<vmem>> -> memref<128x128xf32, #tpu.memory_space<vmem>>
    %dma_start3A_106 = arith.constant 0 : i32
    %dma_start3A_107 = tpu.memref_slice %arg8[%rem3A_97, %rem3A_100, %dma_start3A_106] : memref<2x8x128xi32, #tpu.memory_space<vmem>> -> memref<1x1x128xi32, #tpu.memory_space<vmem>>
    %dma_start3A_108 = tpu.memref_squeeze %dma_start3A_107 : memref<1x1x128xi32, #tpu.memory_space<vmem>> -> memref<128xi32, #tpu.memory_space<vmem>>
    %dma_start3A_109 = arith.constant 0 : i32
    %dma_start3A_110 = arith.constant 0 : i32
    %dma_start3A_111 = tpu.memref_slice %arg5[%dma_start3A_109, %dma_start3A_110] : memref<10000x128xf32, #tpu.memory_space<hbm>> -> memref<10000x128xf32, #tpu.memory_space<hbm>>
    tpu.enqueue_indirect_dma source(%dma_start3A_111 : memref<10000x128xf32, #tpu.memory_space<hbm>>) target(%dma_start3A_105 : memref<128x128xf32, #tpu.memory_space<vmem>>) offsets(%dma_start3A_108 : memref<128xi32, #tpu.memory_space<vmem>>) semaphore(%arg15 : memref<!tpu.dma_semaphore, #tpu.memory_space<semaphore_mem>>)
    %rem3A_112 = arith.constant 0 : i32
    %rem3A_113 = arith.constant 2 : i32
    %rem3A_114 = arith.remsi %rem3A_112, %rem3A_113 : i32
    %rem3A_115 = arith.constant 1 : i32
    %rem3A_116 = arith.constant 8 : i32
    %rem3A_117 = arith.remsi %rem3A_115, %rem3A_116 : i32
    %dma_start3A_118 = arith.constant 1 : i32
    %dma_start3A_119 = arith.constant 0 : i32
    %dma_start3A_120 = tpu.memref_slice %arg10[%dma_start3A_118, %dma_start3A_119] : memref<2x128xf32, #tpu.memory_space<vmem>> -> memref<1x128xf32, #tpu.memory_space<vmem>>
    %dma_start3A_121 = tpu.memref_squeeze %dma_start3A_120 : memref<1x128xf32, #tpu.memory_space<vmem>> -> memref<128xf32, #tpu.memory_space<vmem>>
    %dma_start3A_122 = arith.constant 0 : i32
    %dma_start3A_123 = tpu.memref_slice %arg8[%rem3A_114, %rem3A_117, %dma_start3A_122] : memref<2x8x128xi32, #tpu.memory_space<vmem>> -> memref<1x1x128xi32, #tpu.memory_space<vmem>>
    %dma_start3A_124 = tpu.memref_squeeze %dma_start3A_123 : memref<1x1x128xi32, #tpu.memory_space<vmem>> -> memref<128xi32, #tpu.memory_space<vmem>>
    %dma_start3A_125 = arith.constant 0 : i32
    %dma_start3A_126 = tpu.memref_slice %arg4[%dma_start3A_125] : memref<10000xf32, #tpu.memory_space<hbm>> -> memref<10000xf32, #tpu.memory_space<hbm>>
    tpu.enqueue_indirect_dma source(%dma_start3A_126 : memref<10000xf32, #tpu.memory_space<hbm>>) target(%dma_start3A_121 : memref<128xf32, #tpu.memory_space<vmem>>) offsets(%dma_start3A_124 : memref<128xi32, #tpu.memory_space<vmem>>) semaphore(%arg17 : memref<!tpu.dma_semaphore, #tpu.memory_space<semaphore_mem>>)
    %scan3A_127 = arith.constant 0 : i32
    %scan3A_128 = arith.constant 0 : i32
    %scan3A_129 = arith.constant 40 : i32
    %scan3A_130 = arith.addi %scan3A_128, %scan3A_129 : i32
    %scan3A_131 = arith.constant 1 : i32
    %scan3A_132 = scf.for %scan3A_211 = %scan3A_128 to %scan3A_130 step %scan3A_131 iter_args(%scan3A_212 = %scan3A_127) -> (i32)  : i32 {
      %mul3A_213 = arith.constant 2 : i32
      %mul3A_214 = arith.muli %scan3A_211, %mul3A_213 : i32
      %add3A_215 = arith.constant 0 : i32
      %add3A_216 = arith.addi %mul3A_214, %add3A_215 : i32
      %jit3A = arith.constant 8 : i32
      %div3A = arith.divsi %add3A_216, %jit3A : i32
      %sign3A = arith.constant 0 : i32
      %sign3A_217 = arith.cmpi sgt, %add3A_216, %sign3A : i32
      %sign3A_218 = arith.extui %sign3A_217 : i1 to i32
      %sign3A_219 = arith.constant 0 : i32
      %sign3A_220 = arith.cmpi slt, %add3A_216, %sign3A_219 : i32
      %sign3A_221 = arith.extui %sign3A_220 : i1 to i32
      %sign3A_222 = arith.subi %sign3A_218, %sign3A_221 : i32
      %sign3A_223 = arith.constant 0 : i32
      %sign3A_224 = arith.cmpi sgt, %jit3A, %sign3A_223 : i32
      %sign3A_225 = arith.extui %sign3A_224 : i1 to i32
      %sign3A_226 = arith.constant 0 : i32
      %sign3A_227 = arith.cmpi slt, %jit3A, %sign3A_226 : i32
      %sign3A_228 = arith.extui %sign3A_227 : i1 to i32
      %sign3A_229 = arith.subi %sign3A_225, %sign3A_228 : i32
      %ne3A = arith.cmpi ne, %sign3A_222, %sign3A_229 : i32
      %rem3A_230 = arith.remsi %add3A_216, %jit3A : i32
      %ne3A_231 = arith.constant 0 : i32
      %ne3A_232 = arith.cmpi ne, %rem3A_230, %ne3A_231 : i32
      %and3A = arith.andi %ne3A, %ne3A_232 : i1
      %sub3A = arith.constant 1 : i32
      %sub3A_233 = arith.subi %div3A, %sub3A : i32
      %select_n3A = arith.select %and3A, %sub3A_233, %div3A : i32
      %rem3A_234 = arith.constant 2 : i32
      %rem3A_235 = arith.remsi %select_n3A, %rem3A_234 : i32
      %rem3A_236 = arith.constant 8 : i32
      %rem3A_237 = arith.remsi %add3A_216, %rem3A_236 : i32
      %dma_wait3A_238 = arith.constant 0 : i32
      %dma_wait3A_239 = arith.constant 0 : i32
      %dma_wait3A_240 = arith.constant 0 : i32
      %dma_wait3A_241 = tpu.memref_slice %arg11[%dma_wait3A_238, %dma_wait3A_239, %dma_wait3A_240] : memref<2x128x128xf32, #tpu.memory_space<vmem>> -> memref<1x128x128xf32, #tpu.memory_space<vmem>>
      %dma_wait3A_242 = tpu.memref_squeeze %dma_wait3A_241 : memref<1x128x128xf32, #tpu.memory_space<vmem>> -> memref<128x128xf32, #tpu.memory_space<vmem>>
      %dma_wait3A_243 = arith.constant 0 : i32
      %dma_wait3A_244 = tpu.memref_slice %arg8[%rem3A_235, %rem3A_237, %dma_wait3A_243] : memref<2x8x128xi32, #tpu.memory_space<vmem>> -> memref<1x1x128xi32, #tpu.memory_space<vmem>>
      %dma_wait3A_245 = tpu.memref_squeeze %dma_wait3A_244 : memref<1x1x128xi32, #tpu.memory_space<vmem>> -> memref<128xi32, #tpu.memory_space<vmem>>
      %dma_wait3A_246 = arith.constant 0 : i32
      %dma_wait3A_247 = arith.constant 0 : i32
      %dma_wait3A_248 = tpu.memref_slice %arg5[%dma_wait3A_246, %dma_wait3A_247] : memref<10000x128xf32, #tpu.memory_space<hbm>> -> memref<10000x128xf32, #tpu.memory_space<hbm>>
      tpu.wait_indirect_dma semaphore(%arg14 : memref<!tpu.dma_semaphore, #tpu.memory_space<semaphore_mem>>) src(%dma_wait3A_248 : memref<10000x128xf32, #tpu.memory_space<hbm>>) dst(%dma_wait3A_242 : memref<128x128xf32, #tpu.memory_space<vmem>>)
      %jit3A_249 = arith.constant 8 : i32
      %div3A_250 = arith.divsi %add3A_216, %jit3A_249 : i32
      %sign3A_251 = arith.constant 0 : i32
      %sign3A_252 = arith.cmpi sgt, %add3A_216, %sign3A_251 : i32
      %sign3A_253 = arith.extui %sign3A_252 : i1 to i32
      %sign3A_254 = arith.constant 0 : i32
      %sign3A_255 = arith.cmpi slt, %add3A_216, %sign3A_254 : i32
      %sign3A_256 = arith.extui %sign3A_255 : i1 to i32
      %sign3A_257 = arith.subi %sign3A_253, %sign3A_256 : i32
      %sign3A_258 = arith.constant 0 : i32
      %sign3A_259 = arith.cmpi sgt, %jit3A_249, %sign3A_258 : i32
      %sign3A_260 = arith.extui %sign3A_259 : i1 to i32
      %sign3A_261 = arith.constant 0 : i32
      %sign3A_262 = arith.cmpi slt, %jit3A_249, %sign3A_261 : i32
      %sign3A_263 = arith.extui %sign3A_262 : i1 to i32
      %sign3A_264 = arith.subi %sign3A_260, %sign3A_263 : i32
      %ne3A_265 = arith.cmpi ne, %sign3A_257, %sign3A_264 : i32
      %rem3A_266 = arith.remsi %add3A_216, %jit3A_249 : i32
      %ne3A_267 = arith.constant 0 : i32
      %ne3A_268 = arith.cmpi ne, %rem3A_266, %ne3A_267 : i32
      %and3A_269 = arith.andi %ne3A_265, %ne3A_268 : i1
      %sub3A_270 = arith.constant 1 : i32
      %sub3A_271 = arith.subi %div3A_250, %sub3A_270 : i32
      %select_n3A_272 = arith.select %and3A_269, %sub3A_271, %div3A_250 : i32
      %rem3A_273 = arith.constant 2 : i32
      %rem3A_274 = arith.remsi %select_n3A_272, %rem3A_273 : i32
      %rem3A_275 = arith.constant 8 : i32
      %rem3A_276 = arith.remsi %add3A_216, %rem3A_275 : i32
      %dma_wait3A_277 = arith.constant 0 : i32
      %dma_wait3A_278 = arith.constant 0 : i32
      %dma_wait3A_279 = tpu.memref_slice %arg10[%dma_wait3A_277, %dma_wait3A_278] : memref<2x128xf32, #tpu.memory_space<vmem>> -> memref<1x128xf32, #tpu.memory_space<vmem>>
      %dma_wait3A_280 = tpu.memref_squeeze %dma_wait3A_279 : memref<1x128xf32, #tpu.memory_space<vmem>> -> memref<128xf32, #tpu.memory_space<vmem>>
      %dma_wait3A_281 = arith.constant 0 : i32
      %dma_wait3A_282 = tpu.memref_slice %arg8[%rem3A_274, %rem3A_276, %dma_wait3A_281] : memref<2x8x128xi32, #tpu.memory_space<vmem>> -> memref<1x1x128xi32, #tpu.memory_space<vmem>>
      %dma_wait3A_283 = tpu.memref_squeeze %dma_wait3A_282 : memref<1x1x128xi32, #tpu.memory_space<vmem>> -> memref<128xi32, #tpu.memory_space<vmem>>
      %dma_wait3A_284 = arith.constant 0 : i32
      %dma_wait3A_285 = tpu.memref_slice %arg4[%dma_wait3A_284] : memref<10000xf32, #tpu.memory_space<hbm>> -> memref<10000xf32, #tpu.memory_space<hbm>>
      tpu.wait_indirect_dma semaphore(%arg16 : memref<!tpu.dma_semaphore, #tpu.memory_space<semaphore_mem>>) src(%dma_wait3A_285 : memref<10000xf32, #tpu.memory_space<hbm>>) dst(%dma_wait3A_280 : memref<128xf32, #tpu.memory_space<vmem>>)
      %jit3A_286 = arith.constant 8 : i32
      %div3A_287 = arith.divsi %add3A_216, %jit3A_286 : i32
      %sign3A_288 = arith.constant 0 : i32
      %sign3A_289 = arith.cmpi sgt, %add3A_216, %sign3A_288 : i32
      %sign3A_290 = arith.extui %sign3A_289 : i1 to i32
      %sign3A_291 = arith.constant 0 : i32
      %sign3A_292 = arith.cmpi slt, %add3A_216, %sign3A_291 : i32
      %sign3A_293 = arith.extui %sign3A_292 : i1 to i32
      %sign3A_294 = arith.subi %sign3A_290, %sign3A_293 : i32
      %sign3A_295 = arith.constant 0 : i32
      %sign3A_296 = arith.cmpi sgt, %jit3A_286, %sign3A_295 : i32
      %sign3A_297 = arith.extui %sign3A_296 : i1 to i32
      %sign3A_298 = arith.constant 0 : i32
      %sign3A_299 = arith.cmpi slt, %jit3A_286, %sign3A_298 : i32
      %sign3A_300 = arith.extui %sign3A_299 : i1 to i32
      %sign3A_301 = arith.subi %sign3A_297, %sign3A_300 : i32
      %ne3A_302 = arith.cmpi ne, %sign3A_294, %sign3A_301 : i32
      %rem3A_303 = arith.remsi %add3A_216, %jit3A_286 : i32
      %ne3A_304 = arith.constant 0 : i32
      %ne3A_305 = arith.cmpi ne, %rem3A_303, %ne3A_304 : i32
      %and3A_306 = arith.andi %ne3A_302, %ne3A_305 : i1
      %sub3A_307 = arith.constant 1 : i32
      %sub3A_308 = arith.subi %div3A_287, %sub3A_307 : i32
      %select_n3A_309 = arith.select %and3A_306, %sub3A_308, %div3A_287 : i32
      %rem3A_310 = arith.constant 2 : i32
      %rem3A_311 = arith.remsi %select_n3A_309, %rem3A_310 : i32
      %rem3A_312 = arith.constant 8 : i32
      %rem3A_313 = arith.remsi %add3A_216, %rem3A_312 : i32
      %dma_start3A_314 = arith.constant 0 : i32
      %dma_start3A_315 = arith.constant 0 : i32
      %dma_start3A_316 = arith.constant 0 : i32
      %dma_start3A_317 = tpu.memref_slice %arg11[%dma_start3A_314, %dma_start3A_315, %dma_start3A_316] : memref<2x128x128xf32, #tpu.memory_space<vmem>> -> memref<1x128x128xf32, #tpu.memory_space<vmem>>
      %dma_start3A_318 = tpu.memref_squeeze %dma_start3A_317 : memref<1x128x128xf32, #tpu.memory_space<vmem>> -> memref<128x128xf32, #tpu.memory_space<vmem>>
      %dma_start3A_319 = arith.constant 0 : i32
      %dma_start3A_320 = tpu.memref_slice %arg9[%rem3A_311, %rem3A_313, %dma_start3A_319] : memref<2x8x128xi32, #tpu.memory_space<vmem>> -> memref<1x1x128xi32, #tpu.memory_space<vmem>>
      %dma_start3A_321 = tpu.memref_squeeze %dma_start3A_320 : memref<1x1x128xi32, #tpu.memory_space<vmem>> -> memref<128xi32, #tpu.memory_space<vmem>>
      %dma_start3A_322 = arith.constant 0 : i32
      %dma_start3A_323 = arith.constant 0 : i32
      %dma_start3A_324 = tpu.memref_slice %arg12[%dma_start3A_322, %dma_start3A_323] : memref<10240x128xf32, #tpu.memory_space<vmem_shared>> -> memref<10240x128xf32, #tpu.memory_space<vmem_shared>>
      tpu.enqueue_indirect_dma source(%dma_start3A_318 : memref<128x128xf32, #tpu.memory_space<vmem>>) target(%dma_start3A_324 : memref<10240x128xf32, #tpu.memory_space<vmem_shared>>) offsets(%dma_start3A_321 : memref<128xi32, #tpu.memory_space<vmem>>) semaphore(%arg18 : memref<!tpu.dma_semaphore, #tpu.memory_space<semaphore_mem>>) {add = true}
      %jit3A_325 = arith.constant 8 : i32
      %div3A_326 = arith.divsi %add3A_216, %jit3A_325 : i32
      %sign3A_327 = arith.constant 0 : i32
      %sign3A_328 = arith.cmpi sgt, %add3A_216, %sign3A_327 : i32
      %sign3A_329 = arith.extui %sign3A_328 : i1 to i32
      %sign3A_330 = arith.constant 0 : i32
      %sign3A_331 = arith.cmpi slt, %add3A_216, %sign3A_330 : i32
      %sign3A_332 = arith.extui %sign3A_331 : i1 to i32
      %sign3A_333 = arith.subi %sign3A_329, %sign3A_332 : i32
      %sign3A_334 = arith.constant 0 : i32
      %sign3A_335 = arith.cmpi sgt, %jit3A_325, %sign3A_334 : i32
      %sign3A_336 = arith.extui %sign3A_335 : i1 to i32
      %sign3A_337 = arith.constant 0 : i32
      %sign3A_338 = arith.cmpi slt, %jit3A_325, %sign3A_337 : i32
      %sign3A_339 = arith.extui %sign3A_338 : i1 to i32
      %sign3A_340 = arith.subi %sign3A_336, %sign3A_339 : i32
      %ne3A_341 = arith.cmpi ne, %sign3A_333, %sign3A_340 : i32
      %rem3A_342 = arith.remsi %add3A_216, %jit3A_325 : i32
      %ne3A_343 = arith.constant 0 : i32
      %ne3A_344 = arith.cmpi ne, %rem3A_342, %ne3A_343 : i32
      %and3A_345 = arith.andi %ne3A_341, %ne3A_344 : i1
      %sub3A_346 = arith.constant 1 : i32
      %sub3A_347 = arith.subi %div3A_326, %sub3A_346 : i32
      %select_n3A_348 = arith.select %and3A_345, %sub3A_347, %div3A_326 : i32
      %rem3A_349 = arith.constant 2 : i32
      %rem3A_350 = arith.remsi %select_n3A_348, %rem3A_349 : i32
      %rem3A_351 = arith.constant 8 : i32
      %rem3A_352 = arith.remsi %add3A_216, %rem3A_351 : i32
      %dma_start3A_353 = arith.constant 0 : i32
      %dma_start3A_354 = arith.constant 0 : i32
      %dma_start3A_355 = tpu.memref_slice %arg10[%dma_start3A_353, %dma_start3A_354] : memref<2x128xf32, #tpu.memory_space<vmem>> -> memref<1x128xf32, #tpu.memory_space<vmem>>
      %dma_start3A_356 = tpu.memref_squeeze %dma_start3A_355 : memref<1x128xf32, #tpu.memory_space<vmem>> -> memref<128xf32, #tpu.memory_space<vmem>>
      %dma_start3A_357 = arith.constant 0 : i32
      %dma_start3A_358 = tpu.memref_slice %arg9[%rem3A_350, %rem3A_352, %dma_start3A_357] : memref<2x8x128xi32, #tpu.memory_space<vmem>> -> memref<1x1x128xi32, #tpu.memory_space<vmem>>
      %dma_start3A_359 = tpu.memref_squeeze %dma_start3A_358 : memref<1x1x128xi32, #tpu.memory_space<vmem>> -> memref<128xi32, #tpu.memory_space<vmem>>
      %dma_start3A_360 = arith.constant 0 : i32
      %dma_start3A_361 = tpu.memref_slice %arg13[%dma_start3A_360] : memref<10240xf32, #tpu.memory_space<vmem_shared>> -> memref<10240xf32, #tpu.memory_space<vmem_shared>>
      tpu.enqueue_indirect_dma source(%dma_start3A_356 : memref<128xf32, #tpu.memory_space<vmem>>) target(%dma_start3A_361 : memref<10240xf32, #tpu.memory_space<vmem_shared>>) offsets(%dma_start3A_359 : memref<128xi32, #tpu.memory_space<vmem>>) semaphore(%arg20 : memref<!tpu.dma_semaphore, #tpu.memory_space<semaphore_mem>>) {add = true}
      %add3A_362 = arith.constant 2 : i32
      %add3A_363 = arith.addi %add3A_216, %add3A_362 : i32
      %lt3A_364 = arith.constant 80 : i32
      %lt3A_365 = arith.cmpi slt, %add3A_363, %lt3A_364 : i32
      %convert_element_type3A_366 = arith.extui %lt3A_365 : i1 to i32
      %cond3A_367 = arith.constant 0 : i32
      %cond3A_368 = arith.cmpi ne, %convert_element_type3A_366, %cond3A_367 : i32
      scf.if %cond3A_368 {
        %ge3A = arith.constant 2 : i32
        %ge3A_533 = arith.cmpi sge, %add3A_363, %ge3A : i32
        %convert_element_type3A_534 = arith.extui %ge3A_533 : i1 to i32
        %cond3A_535 = arith.constant 0 : i32
        %cond3A_536 = arith.cmpi ne, %convert_element_type3A_534, %cond3A_535 : i32
        scf.if %cond3A_536 {
          %sub3A_620 = arith.constant 2 : i32
          %sub3A_621 = arith.subi %add3A_363, %sub3A_620 : i32
          %jit3A_622 = arith.constant 8 : i32
          %div3A_623 = arith.divsi %sub3A_621, %jit3A_622 : i32
          %sign3A_624 = arith.constant 0 : i32
          %sign3A_625 = arith.cmpi sgt, %sub3A_621, %sign3A_624 : i32
          %sign3A_626 = arith.extui %sign3A_625 : i1 to i32
          %sign3A_627 = arith.constant 0 : i32
          %sign3A_628 = arith.cmpi slt, %sub3A_621, %sign3A_627 : i32
          %sign3A_629 = arith.extui %sign3A_628 : i1 to i32
          %sign3A_630 = arith.subi %sign3A_626, %sign3A_629 : i32
          %sign3A_631 = arith.constant 0 : i32
          %sign3A_632 = arith.cmpi sgt, %jit3A_622, %sign3A_631 : i32
          %sign3A_633 = arith.extui %sign3A_632 : i1 to i32
          %sign3A_634 = arith.constant 0 : i32
          %sign3A_635 = arith.cmpi slt, %jit3A_622, %sign3A_634 : i32
          %sign3A_636 = arith.extui %sign3A_635 : i1 to i32
          %sign3A_637 = arith.subi %sign3A_633, %sign3A_636 : i32
          %ne3A_638 = arith.cmpi ne, %sign3A_630, %sign3A_637 : i32
          %rem3A_639 = arith.remsi %sub3A_621, %jit3A_622 : i32
          %ne3A_640 = arith.constant 0 : i32
          %ne3A_641 = arith.cmpi ne, %rem3A_639, %ne3A_640 : i32
          %and3A_642 = arith.andi %ne3A_638, %ne3A_641 : i1
          %sub3A_643 = arith.constant 1 : i32
          %sub3A_644 = arith.subi %div3A_623, %sub3A_643 : i32
          %select_n3A_645 = arith.select %and3A_642, %sub3A_644, %div3A_623 : i32
          %rem3A_646 = arith.constant 2 : i32
          %rem3A_647 = arith.remsi %select_n3A_645, %rem3A_646 : i32
          %rem3A_648 = arith.constant 8 : i32
          %rem3A_649 = arith.remsi %sub3A_621, %rem3A_648 : i32
          %dma_wait3A_650 = arith.constant 0 : i32
          %dma_wait3A_651 = arith.constant 0 : i32
          %dma_wait3A_652 = arith.constant 0 : i32
          %dma_wait3A_653 = tpu.memref_slice %arg11[%dma_wait3A_650, %dma_wait3A_651, %dma_wait3A_652] : memref<2x128x128xf32, #tpu.memory_space<vmem>> -> memref<1x128x128xf32, #tpu.memory_space<vmem>>
          %dma_wait3A_654 = tpu.memref_squeeze %dma_wait3A_653 : memref<1x128x128xf32, #tpu.memory_space<vmem>> -> memref<128x128xf32, #tpu.memory_space<vmem>>
          %dma_wait3A_655 = arith.constant 0 : i32
          %dma_wait3A_656 = tpu.memref_slice %arg9[%rem3A_647, %rem3A_649, %dma_wait3A_655] : memref<2x8x128xi32, #tpu.memory_space<vmem>> -> memref<1x1x128xi32, #tpu.memory_space<vmem>>
          %dma_wait3A_657 = tpu.memref_squeeze %dma_wait3A_656 : memref<1x1x128xi32, #tpu.memory_space<vmem>> -> memref<128xi32, #tpu.memory_space<vmem>>
          %dma_wait3A_658 = arith.constant 0 : i32
          %dma_wait3A_659 = arith.constant 0 : i32
          %dma_wait3A_660 = tpu.memref_slice %arg12[%dma_wait3A_658, %dma_wait3A_659] : memref<10240x128xf32, #tpu.memory_space<vmem_shared>> -> memref<10240x128xf32, #tpu.memory_space<vmem_shared>>
          tpu.wait_indirect_dma semaphore(%arg18 : memref<!tpu.dma_semaphore, #tpu.memory_space<semaphore_mem>>) src(%dma_wait3A_654 : memref<128x128xf32, #tpu.memory_space<vmem>>) dst(%dma_wait3A_660 : memref<10240x128xf32, #tpu.memory_space<vmem_shared>>)
          %jit3A_661 = arith.constant 8 : i32
          %div3A_662 = arith.divsi %sub3A_621, %jit3A_661 : i32
          %sign3A_663 = arith.constant 0 : i32
          %sign3A_664 = arith.cmpi sgt, %sub3A_621, %sign3A_663 : i32
          %sign3A_665 = arith.extui %sign3A_664 : i1 to i32
          %sign3A_666 = arith.constant 0 : i32
          %sign3A_667 = arith.cmpi slt, %sub3A_621, %sign3A_666 : i32
          %sign3A_668 = arith.extui %sign3A_667 : i1 to i32
          %sign3A_669 = arith.subi %sign3A_665, %sign3A_668 : i32
          %sign3A_670 = arith.constant 0 : i32
          %sign3A_671 = arith.cmpi sgt, %jit3A_661, %sign3A_670 : i32
          %sign3A_672 = arith.extui %sign3A_671 : i1 to i32
          %sign3A_673 = arith.constant 0 : i32
          %sign3A_674 = arith.cmpi slt, %jit3A_661, %sign3A_673 : i32
          %sign3A_675 = arith.extui %sign3A_674 : i1 to i32
          %sign3A_676 = arith.subi %sign3A_672, %sign3A_675 : i32
          %ne3A_677 = arith.cmpi ne, %sign3A_669, %sign3A_676 : i32
          %rem3A_678 = arith.remsi %sub3A_621, %jit3A_661 : i32
          %ne3A_679 = arith.constant 0 : i32
          %ne3A_680 = arith.cmpi ne, %rem3A_678, %ne3A_679 : i32
          %and3A_681 = arith.andi %ne3A_677, %ne3A_680 : i1
          %sub3A_682 = arith.constant 1 : i32
          %sub3A_683 = arith.subi %div3A_662, %sub3A_682 : i32
          %select_n3A_684 = arith.select %and3A_681, %sub3A_683, %div3A_662 : i32
          %rem3A_685 = arith.constant 2 : i32
          %rem3A_686 = arith.remsi %select_n3A_684, %rem3A_685 : i32
          %rem3A_687 = arith.constant 8 : i32
          %rem3A_688 = arith.remsi %sub3A_621, %rem3A_687 : i32
          %dma_wait3A_689 = arith.constant 0 : i32
          %dma_wait3A_690 = arith.constant 0 : i32
          %dma_wait3A_691 = tpu.memref_slice %arg10[%dma_wait3A_689, %dma_wait3A_690] : memref<2x128xf32, #tpu.memory_space<vmem>> -> memref<1x128xf32, #tpu.memory_space<vmem>>
          %dma_wait3A_692 = tpu.memref_squeeze %dma_wait3A_691 : memref<1x128xf32, #tpu.memory_space<vmem>> -> memref<128xf32, #tpu.memory_space<vmem>>
          %dma_wait3A_693 = arith.constant 0 : i32
          %dma_wait3A_694 = tpu.memref_slice %arg9[%rem3A_686, %rem3A_688, %dma_wait3A_693] : memref<2x8x128xi32, #tpu.memory_space<vmem>> -> memref<1x1x128xi32, #tpu.memory_space<vmem>>
          %dma_wait3A_695 = tpu.memref_squeeze %dma_wait3A_694 : memref<1x1x128xi32, #tpu.memory_space<vmem>> -> memref<128xi32, #tpu.memory_space<vmem>>
          %dma_wait3A_696 = arith.constant 0 : i32
          %dma_wait3A_697 = tpu.memref_slice %arg13[%dma_wait3A_696] : memref<10240xf32, #tpu.memory_space<vmem_shared>> -> memref<10240xf32, #tpu.memory_space<vmem_shared>>
          tpu.wait_indirect_dma semaphore(%arg20 : memref<!tpu.dma_semaphore, #tpu.memory_space<semaphore_mem>>) src(%dma_wait3A_692 : memref<128xf32, #tpu.memory_space<vmem>>) dst(%dma_wait3A_697 : memref<10240xf32, #tpu.memory_space<vmem_shared>>)
        } else {
        }
        %rem3A_537 = arith.constant 8 : i32
        %rem3A_538 = arith.remsi %add3A_363, %rem3A_537 : i32
        %eq3A_539 = arith.constant 0 : i32
        %eq3A_540 = arith.cmpi eq, %rem3A_538, %eq3A_539 : i32
        %convert_element_type3A_541 = arith.extui %eq3A_540 : i1 to i32
        %cond3A_542 = arith.constant 0 : i32
        %cond3A_543 = arith.cmpi ne, %convert_element_type3A_541, %cond3A_542 : i32
        scf.if %cond3A_543 {
          %jit3A_620 = arith.constant 8 : i32
          %div3A_621 = arith.divsi %add3A_363, %jit3A_620 : i32
          %sign3A_622 = arith.constant 0 : i32
          %sign3A_623 = arith.cmpi sgt, %add3A_363, %sign3A_622 : i32
          %sign3A_624 = arith.extui %sign3A_623 : i1 to i32
          %sign3A_625 = arith.constant 0 : i32
          %sign3A_626 = arith.cmpi slt, %add3A_363, %sign3A_625 : i32
          %sign3A_627 = arith.extui %sign3A_626 : i1 to i32
          %sign3A_628 = arith.subi %sign3A_624, %sign3A_627 : i32
          %sign3A_629 = arith.constant 0 : i32
          %sign3A_630 = arith.cmpi sgt, %jit3A_620, %sign3A_629 : i32
          %sign3A_631 = arith.extui %sign3A_630 : i1 to i32
          %sign3A_632 = arith.constant 0 : i32
          %sign3A_633 = arith.cmpi slt, %jit3A_620, %sign3A_632 : i32
          %sign3A_634 = arith.extui %sign3A_633 : i1 to i32
          %sign3A_635 = arith.subi %sign3A_631, %sign3A_634 : i32
          %ne3A_636 = arith.cmpi ne, %sign3A_628, %sign3A_635 : i32
          %rem3A_637 = arith.remsi %add3A_363, %jit3A_620 : i32
          %ne3A_638 = arith.constant 0 : i32
          %ne3A_639 = arith.cmpi ne, %rem3A_637, %ne3A_638 : i32
          %and3A_640 = arith.andi %ne3A_636, %ne3A_639 : i1
          %sub3A_641 = arith.constant 1 : i32
          %sub3A_642 = arith.subi %div3A_621, %sub3A_641 : i32
          %select_n3A_643 = arith.select %and3A_640, %sub3A_642, %div3A_621 : i32
          %rem3A_644 = arith.constant 2 : i32
          %rem3A_645 = arith.remsi %select_n3A_643, %rem3A_644 : i32
          %mul3A_646 = arith.constant 8 : i32
          %mul3A_647 = arith.muli %select_n3A_643, %mul3A_646 : i32
          %add3A_648 = arith.addi %mul3A_57, %mul3A_647 : i32
          "tpu.region"() ({
            %run_scoped3A_652 = tpu.sem_alloc : memref<!tpu.dma_semaphore, #tpu.memory_space<semaphore_mem>>
            %dma_start3A_653 = arith.constant 0 : i32
            %dma_start3A_654 = arith.constant 0 : i32
            %dma_start3A_655 = tpu.memref_slice %arg8[%rem3A_645, %dma_start3A_653, %dma_start3A_654] : memref<2x8x128xi32, #tpu.memory_space<vmem>> -> memref<1x8x128xi32, #tpu.memory_space<vmem>>
            %dma_start3A_656 = tpu.memref_squeeze %dma_start3A_655 : memref<1x8x128xi32, #tpu.memory_space<vmem>> -> memref<8x128xi32, #tpu.memory_space<vmem>>
            %dma_start3A_657 = arith.constant 0 : i32
            %dma_start3A_658 = tpu.memref_slice %arg2[%add3A_648, %dma_start3A_657] : memref<2560x128xi32, #tpu.memory_space<hbm>> -> memref<8x128xi32, #tpu.memory_space<hbm>>
            %dma_start3A_659 = arith.constant 0 : i32
            %dma_start3A_660 = arith.constant 0 : i32
            %dma_start3A_661 = tpu.memref_slice %arg8[%rem3A_645, %dma_start3A_659, %dma_start3A_660] : memref<2x8x128xi32, #tpu.memory_space<vmem>> -> memref<1x8x128xi32, #tpu.memory_space<vmem>>
            %dma_start3A_662 = tpu.memref_squeeze %dma_start3A_661 : memref<1x8x128xi32, #tpu.memory_space<vmem>> -> memref<8x128xi32, #tpu.memory_space<vmem>>
            %dma_start3A_663 = arith.constant 0 : i32
            %dma_start3A_664 = tpu.memref_slice %arg2[%add3A_648, %dma_start3A_663] : memref<2560x128xi32, #tpu.memory_space<hbm>> -> memref<8x128xi32, #tpu.memory_space<hbm>>
            tpu.enqueue_dma source(%dma_start3A_664 : memref<8x128xi32, #tpu.memory_space<hbm>>) target(%dma_start3A_662 : memref<8x128xi32, #tpu.memory_space<vmem>>) target_semaphore(%run_scoped3A_652 : memref<!tpu.dma_semaphore, #tpu.memory_space<semaphore_mem>>)
            %dma_wait3A_665 = arith.constant 0 : i32
            %dma_wait3A_666 = arith.constant 0 : i32
            %dma_wait3A_667 = tpu.memref_slice %arg8[%rem3A_645, %dma_wait3A_665, %dma_wait3A_666] : memref<2x8x128xi32, #tpu.memory_space<vmem>> -> memref<1x8x128xi32, #tpu.memory_space<vmem>>
            %dma_wait3A_668 = tpu.memref_squeeze %dma_wait3A_667 : memref<1x8x128xi32, #tpu.memory_space<vmem>> -> memref<8x128xi32, #tpu.memory_space<vmem>>
            %dma_wait3A_669 = arith.constant 0 : i32
            %dma_wait3A_670 = tpu.memref_slice %arg2[%add3A_648, %dma_wait3A_669] : memref<2560x128xi32, #tpu.memory_space<hbm>> -> memref<8x128xi32, #tpu.memory_space<hbm>>
            %dma_wait3A_671 = arith.constant 0 : i32
            %dma_wait3A_672 = arith.constant 0 : i32
            %dma_wait3A_673 = tpu.memref_slice %arg8[%rem3A_645, %dma_wait3A_671, %dma_wait3A_672] : memref<2x8x128xi32, #tpu.memory_space<vmem>> -> memref<1x8x128xi32, #tpu.memory_space<vmem>>
            %dma_wait3A_674 = tpu.memref_squeeze %dma_wait3A_673 : memref<1x8x128xi32, #tpu.memory_space<vmem>> -> memref<8x128xi32, #tpu.memory_space<vmem>>
            %dma_wait3A_675 = arith.constant 0 : i32
            %dma_wait3A_676 = tpu.memref_slice %arg2[%add3A_648, %dma_wait3A_675] : memref<2560x128xi32, #tpu.memory_space<hbm>> -> memref<8x128xi32, #tpu.memory_space<hbm>>
            tpu.wait_dma2 semaphore(%run_scoped3A_652 : memref<!tpu.dma_semaphore, #tpu.memory_space<semaphore_mem>>) src(%dma_wait3A_676 : memref<8x128xi32, #tpu.memory_space<hbm>>) dst(%dma_wait3A_674 : memref<8x128xi32, #tpu.memory_space<vmem>>)
            tpu.yield
          }) : () -> ()
          %mul3A_649 = arith.constant 8 : i32
          %mul3A_650 = arith.muli %select_n3A_643, %mul3A_649 : i32
          %add3A_651 = arith.addi %mul3A_57, %mul3A_650 : i32
          "tpu.region"() ({
            %run_scoped3A_652 = tpu.sem_alloc : memref<!tpu.dma_semaphore, #tpu.memory_space<semaphore_mem>>
            %dma_start3A_653 = arith.constant 0 : i32
            %dma_start3A_654 = arith.constant 0 : i32
            %dma_start3A_655 = tpu.memref_slice %arg9[%rem3A_645, %dma_start3A_653, %dma_start3A_654] : memref<2x8x128xi32, #tpu.memory_space<vmem>> -> memref<1x8x128xi32, #tpu.memory_space<vmem>>
            %dma_start3A_656 = tpu.memref_squeeze %dma_start3A_655 : memref<1x8x128xi32, #tpu.memory_space<vmem>> -> memref<8x128xi32, #tpu.memory_space<vmem>>
            %dma_start3A_657 = arith.constant 0 : i32
            %dma_start3A_658 = tpu.memref_slice %arg3[%add3A_651, %dma_start3A_657] : memref<2560x128xi32, #tpu.memory_space<hbm>> -> memref<8x128xi32, #tpu.memory_space<hbm>>
            %dma_start3A_659 = arith.constant 0 : i32
            %dma_start3A_660 = arith.constant 0 : i32
            %dma_start3A_661 = tpu.memref_slice %arg9[%rem3A_645, %dma_start3A_659, %dma_start3A_660] : memref<2x8x128xi32, #tpu.memory_space<vmem>> -> memref<1x8x128xi32, #tpu.memory_space<vmem>>
            %dma_start3A_662 = tpu.memref_squeeze %dma_start3A_661 : memref<1x8x128xi32, #tpu.memory_space<vmem>> -> memref<8x128xi32, #tpu.memory_space<vmem>>
            %dma_start3A_663 = arith.constant 0 : i32
            %dma_start3A_664 = tpu.memref_slice %arg3[%add3A_651, %dma_start3A_663] : memref<2560x128xi32, #tpu.memory_space<hbm>> -> memref<8x128xi32, #tpu.memory_space<hbm>>
            tpu.enqueue_dma source(%dma_start3A_664 : memref<8x128xi32, #tpu.memory_space<hbm>>) target(%dma_start3A_662 : memref<8x128xi32, #tpu.memory_space<vmem>>) target_semaphore(%run_scoped3A_652 : memref<!tpu.dma_semaphore, #tpu.memory_space<semaphore_mem>>)
            %dma_wait3A_665 = arith.constant 0 : i32
            %dma_wait3A_666 = arith.constant 0 : i32
            %dma_wait3A_667 = tpu.memref_slice %arg9[%rem3A_645, %dma_wait3A_665, %dma_wait3A_666] : memref<2x8x128xi32, #tpu.memory_space<vmem>> -> memref<1x8x128xi32, #tpu.memory_space<vmem>>
            %dma_wait3A_668 = tpu.memref_squeeze %dma_wait3A_667 : memref<1x8x128xi32, #tpu.memory_space<vmem>> -> memref<8x128xi32, #tpu.memory_space<vmem>>
            %dma_wait3A_669 = arith.constant 0 : i32
            %dma_wait3A_670 = tpu.memref_slice %arg3[%add3A_651, %dma_wait3A_669] : memref<2560x128xi32, #tpu.memory_space<hbm>> -> memref<8x128xi32, #tpu.memory_space<hbm>>
            %dma_wait3A_671 = arith.constant 0 : i32
            %dma_wait3A_672 = arith.constant 0 : i32
            %dma_wait3A_673 = tpu.memref_slice %arg9[%rem3A_645, %dma_wait3A_671, %dma_wait3A_672] : memref<2x8x128xi32, #tpu.memory_space<vmem>> -> memref<1x8x128xi32, #tpu.memory_space<vmem>>
            %dma_wait3A_674 = tpu.memref_squeeze %dma_wait3A_673 : memref<1x8x128xi32, #tpu.memory_space<vmem>> -> memref<8x128xi32, #tpu.memory_space<vmem>>
            %dma_wait3A_675 = arith.constant 0 : i32
            %dma_wait3A_676 = tpu.memref_slice %arg3[%add3A_651, %dma_wait3A_675] : memref<2560x128xi32, #tpu.memory_space<hbm>> -> memref<8x128xi32, #tpu.memory_space<hbm>>
            tpu.wait_dma2 semaphore(%run_scoped3A_652 : memref<!tpu.dma_semaphore, #tpu.memory_space<semaphore_mem>>) src(%dma_wait3A_676 : memref<8x128xi32, #tpu.memory_space<hbm>>) dst(%dma_wait3A_674 : memref<8x128xi32, #tpu.memory_space<vmem>>)
            tpu.yield
          }) : () -> ()
        } else {
        }
        %jit3A_544 = arith.constant 8 : i32
        %div3A_545 = arith.divsi %add3A_363, %jit3A_544 : i32
        %sign3A_546 = arith.constant 0 : i32
        %sign3A_547 = arith.cmpi sgt, %add3A_363, %sign3A_546 : i32
        %sign3A_548 = arith.extui %sign3A_547 : i1 to i32
        %sign3A_549 = arith.constant 0 : i32
        %sign3A_550 = arith.cmpi slt, %add3A_363, %sign3A_549 : i32
        %sign3A_551 = arith.extui %sign3A_550 : i1 to i32
        %sign3A_552 = arith.subi %sign3A_548, %sign3A_551 : i32
        %sign3A_553 = arith.constant 0 : i32
        %sign3A_554 = arith.cmpi sgt, %jit3A_544, %sign3A_553 : i32
        %sign3A_555 = arith.extui %sign3A_554 : i1 to i32
        %sign3A_556 = arith.constant 0 : i32
        %sign3A_557 = arith.cmpi slt, %jit3A_544, %sign3A_556 : i32
        %sign3A_558 = arith.extui %sign3A_557 : i1 to i32
        %sign3A_559 = arith.subi %sign3A_555, %sign3A_558 : i32
        %ne3A_560 = arith.cmpi ne, %sign3A_552, %sign3A_559 : i32
        %rem3A_561 = arith.remsi %add3A_363, %jit3A_544 : i32
        %ne3A_562 = arith.constant 0 : i32
        %ne3A_563 = arith.cmpi ne, %rem3A_561, %ne3A_562 : i32
        %and3A_564 = arith.andi %ne3A_560, %ne3A_563 : i1
        %sub3A_565 = arith.constant 1 : i32
        %sub3A_566 = arith.subi %div3A_545, %sub3A_565 : i32
        %select_n3A_567 = arith.select %and3A_564, %sub3A_566, %div3A_545 : i32
        %rem3A_568 = arith.constant 2 : i32
        %rem3A_569 = arith.remsi %select_n3A_567, %rem3A_568 : i32
        %rem3A_570 = arith.constant 8 : i32
        %rem3A_571 = arith.remsi %add3A_363, %rem3A_570 : i32
        %dma_start3A_572 = arith.constant 0 : i32
        %dma_start3A_573 = arith.constant 0 : i32
        %dma_start3A_574 = arith.constant 0 : i32
        %dma_start3A_575 = tpu.memref_slice %arg11[%dma_start3A_572, %dma_start3A_573, %dma_start3A_574] : memref<2x128x128xf32, #tpu.memory_space<vmem>> -> memref<1x128x128xf32, #tpu.memory_space<vmem>>
        %dma_start3A_576 = tpu.memref_squeeze %dma_start3A_575 : memref<1x128x128xf32, #tpu.memory_space<vmem>> -> memref<128x128xf32, #tpu.memory_space<vmem>>
        %dma_start3A_577 = arith.constant 0 : i32
        %dma_start3A_578 = tpu.memref_slice %arg8[%rem3A_569, %rem3A_571, %dma_start3A_577] : memref<2x8x128xi32, #tpu.memory_space<vmem>> -> memref<1x1x128xi32, #tpu.memory_space<vmem>>
        %dma_start3A_579 = tpu.memref_squeeze %dma_start3A_578 : memref<1x1x128xi32, #tpu.memory_space<vmem>> -> memref<128xi32, #tpu.memory_space<vmem>>
        %dma_start3A_580 = arith.constant 0 : i32
        %dma_start3A_581 = arith.constant 0 : i32
        %dma_start3A_582 = tpu.memref_slice %arg5[%dma_start3A_580, %dma_start3A_581] : memref<10000x128xf32, #tpu.memory_space<hbm>> -> memref<10000x128xf32, #tpu.memory_space<hbm>>
        tpu.enqueue_indirect_dma source(%dma_start3A_582 : memref<10000x128xf32, #tpu.memory_space<hbm>>) target(%dma_start3A_576 : memref<128x128xf32, #tpu.memory_space<vmem>>) offsets(%dma_start3A_579 : memref<128xi32, #tpu.memory_space<vmem>>) semaphore(%arg14 : memref<!tpu.dma_semaphore, #tpu.memory_space<semaphore_mem>>)
        %jit3A_583 = arith.constant 8 : i32
        %div3A_584 = arith.divsi %add3A_363, %jit3A_583 : i32
        %sign3A_585 = arith.constant 0 : i32
        %sign3A_586 = arith.cmpi sgt, %add3A_363, %sign3A_585 : i32
        %sign3A_587 = arith.extui %sign3A_586 : i1 to i32
        %sign3A_588 = arith.constant 0 : i32
        %sign3A_589 = arith.cmpi slt, %add3A_363, %sign3A_588 : i32
        %sign3A_590 = arith.extui %sign3A_589 : i1 to i32
        %sign3A_591 = arith.subi %sign3A_587, %sign3A_590 : i32
        %sign3A_592 = arith.constant 0 : i32
        %sign3A_593 = arith.cmpi sgt, %jit3A_583, %sign3A_592 : i32
        %sign3A_594 = arith.extui %sign3A_593 : i1 to i32
        %sign3A_595 = arith.constant 0 : i32
        %sign3A_596 = arith.cmpi slt, %jit3A_583, %sign3A_595 : i32
        %sign3A_597 = arith.extui %sign3A_596 : i1 to i32
        %sign3A_598 = arith.subi %sign3A_594, %sign3A_597 : i32
        %ne3A_599 = arith.cmpi ne, %sign3A_591, %sign3A_598 : i32
        %rem3A_600 = arith.remsi %add3A_363, %jit3A_583 : i32
        %ne3A_601 = arith.constant 0 : i32
        %ne3A_602 = arith.cmpi ne, %rem3A_600, %ne3A_601 : i32
        %and3A_603 = arith.andi %ne3A_599, %ne3A_602 : i1
        %sub3A_604 = arith.constant 1 : i32
        %sub3A_605 = arith.subi %div3A_584, %sub3A_604 : i32
        %select_n3A_606 = arith.select %and3A_603, %sub3A_605, %div3A_584 : i32
        %rem3A_607 = arith.constant 2 : i32
        %rem3A_608 = arith.remsi %select_n3A_606, %rem3A_607 : i32
        %rem3A_609 = arith.constant 8 : i32
        %rem3A_610 = arith.remsi %add3A_363, %rem3A_609 : i32
        %dma_start3A_611 = arith.constant 0 : i32
        %dma_start3A_612 = arith.constant 0 : i32
        %dma_start3A_613 = tpu.memref_slice %arg10[%dma_start3A_611, %dma_start3A_612] : memref<2x128xf32, #tpu.memory_space<vmem>> -> memref<1x128xf32, #tpu.memory_space<vmem>>
        %dma_start3A_614 = tpu.memref_squeeze %dma_start3A_613 : memref<1x128xf32, #tpu.memory_space<vmem>> -> memref<128xf32, #tpu.memory_space<vmem>>
        %dma_start3A_615 = arith.constant 0 : i32
        %dma_start3A_616 = tpu.memref_slice %arg8[%rem3A_608, %rem3A_610, %dma_start3A_615] : memref<2x8x128xi32, #tpu.memory_space<vmem>> -> memref<1x1x128xi32, #tpu.memory_space<vmem>>
        %dma_start3A_617 = tpu.memref_squeeze %dma_start3A_616 : memref<1x1x128xi32, #tpu.memory_space<vmem>> -> memref<128xi32, #tpu.memory_space<vmem>>
        %dma_start3A_618 = arith.constant 0 : i32
        %dma_start3A_619 = tpu.memref_slice %arg4[%dma_start3A_618] : memref<10000xf32, #tpu.memory_space<hbm>> -> memref<10000xf32, #tpu.memory_space<hbm>>
        tpu.enqueue_indirect_dma source(%dma_start3A_619 : memref<10000xf32, #tpu.memory_space<hbm>>) target(%dma_start3A_614 : memref<128xf32, #tpu.memory_space<vmem>>) offsets(%dma_start3A_617 : memref<128xi32, #tpu.memory_space<vmem>>) semaphore(%arg16 : memref<!tpu.dma_semaphore, #tpu.memory_space<semaphore_mem>>)
      } else {
      }
      %mul3A_369 = arith.constant 2 : i32
      %mul3A_370 = arith.muli %scan3A_211, %mul3A_369 : i32
      %add3A_371 = arith.constant 1 : i32
      %add3A_372 = arith.addi %mul3A_370, %add3A_371 : i32
      %jit3A_373 = arith.constant 8 : i32
      %div3A_374 = arith.divsi %add3A_372, %jit3A_373 : i32
      %sign3A_375 = arith.constant 0 : i32
      %sign3A_376 = arith.cmpi sgt, %add3A_372, %sign3A_375 : i32
      %sign3A_377 = arith.extui %sign3A_376 : i1 to i32
      %sign3A_378 = arith.constant 0 : i32
      %sign3A_379 = arith.cmpi slt, %add3A_372, %sign3A_378 : i32
      %sign3A_380 = arith.extui %sign3A_379 : i1 to i32
      %sign3A_381 = arith.subi %sign3A_377, %sign3A_380 : i32
      %sign3A_382 = arith.constant 0 : i32
      %sign3A_383 = arith.cmpi sgt, %jit3A_373, %sign3A_382 : i32
      %sign3A_384 = arith.extui %sign3A_383 : i1 to i32
      %sign3A_385 = arith.constant 0 : i32
      %sign3A_386 = arith.cmpi slt, %jit3A_373, %sign3A_385 : i32
      %sign3A_387 = arith.extui %sign3A_386 : i1 to i32
      %sign3A_388 = arith.subi %sign3A_384, %sign3A_387 : i32
      %ne3A_389 = arith.cmpi ne, %sign3A_381, %sign3A_388 : i32
      %rem3A_390 = arith.remsi %add3A_372, %jit3A_373 : i32
      %ne3A_391 = arith.constant 0 : i32
      %ne3A_392 = arith.cmpi ne, %rem3A_390, %ne3A_391 : i32
      %and3A_393 = arith.andi %ne3A_389, %ne3A_392 : i1
      %sub3A_394 = arith.constant 1 : i32
      %sub3A_395 = arith.subi %div3A_374, %sub3A_394 : i32
      %select_n3A_396 = arith.select %and3A_393, %sub3A_395, %div3A_374 : i32
      %rem3A_397 = arith.constant 2 : i32
      %rem3A_398 = arith.remsi %select_n3A_396, %rem3A_397 : i32
      %rem3A_399 = arith.constant 8 : i32
      %rem3A_400 = arith.remsi %add3A_372, %rem3A_399 : i32
      %dma_wait3A_401 = arith.constant 1 : i32
      %dma_wait3A_402 = arith.constant 0 : i32
      %dma_wait3A_403 = arith.constant 0 : i32
      %dma_wait3A_404 = tpu.memref_slice %arg11[%dma_wait3A_401, %dma_wait3A_402, %dma_wait3A_403] : memref<2x128x128xf32, #tpu.memory_space<vmem>> -> memref<1x128x128xf32, #tpu.memory_space<vmem>>
      %dma_wait3A_405 = tpu.memref_squeeze %dma_wait3A_404 : memref<1x128x128xf32, #tpu.memory_space<vmem>> -> memref<128x128xf32, #tpu.memory_space<vmem>>
      %dma_wait3A_406 = arith.constant 0 : i32
      %dma_wait3A_407 = tpu.memref_slice %arg8[%rem3A_398, %rem3A_400, %dma_wait3A_406] : memref<2x8x128xi32, #tpu.memory_space<vmem>> -> memref<1x1x128xi32, #tpu.memory_space<vmem>>
      %dma_wait3A_408 = tpu.memref_squeeze %dma_wait3A_407 : memref<1x1x128xi32, #tpu.memory_space<vmem>> -> memref<128xi32, #tpu.memory_space<vmem>>
      %dma_wait3A_409 = arith.constant 0 : i32
      %dma_wait3A_410 = arith.constant 0 : i32
      %dma_wait3A_411 = tpu.memref_slice %arg5[%dma_wait3A_409, %dma_wait3A_410] : memref<10000x128xf32, #tpu.memory_space<hbm>> -> memref<10000x128xf32, #tpu.memory_space<hbm>>
      tpu.wait_indirect_dma semaphore(%arg15 : memref<!tpu.dma_semaphore, #tpu.memory_space<semaphore_mem>>) src(%dma_wait3A_411 : memref<10000x128xf32, #tpu.memory_space<hbm>>) dst(%dma_wait3A_405 : memref<128x128xf32, #tpu.memory_space<vmem>>)
      %jit3A_412 = arith.constant 8 : i32
      %div3A_413 = arith.divsi %add3A_372, %jit3A_412 : i32
      %sign3A_414 = arith.constant 0 : i32
      %sign3A_415 = arith.cmpi sgt, %add3A_372, %sign3A_414 : i32
      %sign3A_416 = arith.extui %sign3A_415 : i1 to i32
      %sign3A_417 = arith.constant 0 : i32
      %sign3A_418 = arith.cmpi slt, %add3A_372, %sign3A_417 : i32
      %sign3A_419 = arith.extui %sign3A_418 : i1 to i32
      %sign3A_420 = arith.subi %sign3A_416, %sign3A_419 : i32
      %sign3A_421 = arith.constant 0 : i32
      %sign3A_422 = arith.cmpi sgt, %jit3A_412, %sign3A_421 : i32
      %sign3A_423 = arith.extui %sign3A_422 : i1 to i32
      %sign3A_424 = arith.constant 0 : i32
      %sign3A_425 = arith.cmpi slt, %jit3A_412, %sign3A_424 : i32
      %sign3A_426 = arith.extui %sign3A_425 : i1 to i32
      %sign3A_427 = arith.subi %sign3A_423, %sign3A_426 : i32
      %ne3A_428 = arith.cmpi ne, %sign3A_420, %sign3A_427 : i32
      %rem3A_429 = arith.remsi %add3A_372, %jit3A_412 : i32
      %ne3A_430 = arith.constant 0 : i32
      %ne3A_431 = arith.cmpi ne, %rem3A_429, %ne3A_430 : i32
      %and3A_432 = arith.andi %ne3A_428, %ne3A_431 : i1
      %sub3A_433 = arith.constant 1 : i32
      %sub3A_434 = arith.subi %div3A_413, %sub3A_433 : i32
      %select_n3A_435 = arith.select %and3A_432, %sub3A_434, %div3A_413 : i32
      %rem3A_436 = arith.constant 2 : i32
      %rem3A_437 = arith.remsi %select_n3A_435, %rem3A_436 : i32
      %rem3A_438 = arith.constant 8 : i32
      %rem3A_439 = arith.remsi %add3A_372, %rem3A_438 : i32
      %dma_wait3A_440 = arith.constant 1 : i32
      %dma_wait3A_441 = arith.constant 0 : i32
      %dma_wait3A_442 = tpu.memref_slice %arg10[%dma_wait3A_440, %dma_wait3A_441] : memref<2x128xf32, #tpu.memory_space<vmem>> -> memref<1x128xf32, #tpu.memory_space<vmem>>
      %dma_wait3A_443 = tpu.memref_squeeze %dma_wait3A_442 : memref<1x128xf32, #tpu.memory_space<vmem>> -> memref<128xf32, #tpu.memory_space<vmem>>
      %dma_wait3A_444 = arith.constant 0 : i32
      %dma_wait3A_445 = tpu.memref_slice %arg8[%rem3A_437, %rem3A_439, %dma_wait3A_444] : memref<2x8x128xi32, #tpu.memory_space<vmem>> -> memref<1x1x128xi32, #tpu.memory_space<vmem>>
      %dma_wait3A_446 = tpu.memref_squeeze %dma_wait3A_445 : memref<1x1x128xi32, #tpu.memory_space<vmem>> -> memref<128xi32, #tpu.memory_space<vmem>>
      %dma_wait3A_447 = arith.constant 0 : i32
      %dma_wait3A_448 = tpu.memref_slice %arg4[%dma_wait3A_447] : memref<10000xf32, #tpu.memory_space<hbm>> -> memref<10000xf32, #tpu.memory_space<hbm>>
      tpu.wait_indirect_dma semaphore(%arg17 : memref<!tpu.dma_semaphore, #tpu.memory_space<semaphore_mem>>) src(%dma_wait3A_448 : memref<10000xf32, #tpu.memory_space<hbm>>) dst(%dma_wait3A_443 : memref<128xf32, #tpu.memory_space<vmem>>)
      %jit3A_449 = arith.constant 8 : i32
      %div3A_450 = arith.divsi %add3A_372, %jit3A_449 : i32
      %sign3A_451 = arith.constant 0 : i32
      %sign3A_452 = arith.cmpi sgt, %add3A_372, %sign3A_451 : i32
      %sign3A_453 = arith.extui %sign3A_452 : i1 to i32
      %sign3A_454 = arith.constant 0 : i32
      %sign3A_455 = arith.cmpi slt, %add3A_372, %sign3A_454 : i32
      %sign3A_456 = arith.extui %sign3A_455 : i1 to i32
      %sign3A_457 = arith.subi %sign3A_453, %sign3A_456 : i32
      %sign3A_458 = arith.constant 0 : i32
      %sign3A_459 = arith.cmpi sgt, %jit3A_449, %sign3A_458 : i32
      %sign3A_460 = arith.extui %sign3A_459 : i1 to i32
      %sign3A_461 = arith.constant 0 : i32
      %sign3A_462 = arith.cmpi slt, %jit3A_449, %sign3A_461 : i32
      %sign3A_463 = arith.extui %sign3A_462 : i1 to i32
      %sign3A_464 = arith.subi %sign3A_460, %sign3A_463 : i32
      %ne3A_465 = arith.cmpi ne, %sign3A_457, %sign3A_464 : i32
      %rem3A_466 = arith.remsi %add3A_372, %jit3A_449 : i32
      %ne3A_467 = arith.constant 0 : i32
      %ne3A_468 = arith.cmpi ne, %rem3A_466, %ne3A_467 : i32
      %and3A_469 = arith.andi %ne3A_465, %ne3A_468 : i1
      %sub3A_470 = arith.constant 1 : i32
      %sub3A_471 = arith.subi %div3A_450, %sub3A_470 : i32
      %select_n3A_472 = arith.select %and3A_469, %sub3A_471, %div3A_450 : i32
      %rem3A_473 = arith.constant 2 : i32
      %rem3A_474 = arith.remsi %select_n3A_472, %rem3A_473 : i32
      %rem3A_475 = arith.constant 8 : i32
      %rem3A_476 = arith.remsi %add3A_372, %rem3A_475 : i32
      %dma_start3A_477 = arith.constant 1 : i32
      %dma_start3A_478 = arith.constant 0 : i32
      %dma_start3A_479 = arith.constant 0 : i32
      %dma_start3A_480 = tpu.memref_slice %arg11[%dma_start3A_477, %dma_start3A_478, %dma_start3A_479] : memref<2x128x128xf32, #tpu.memory_space<vmem>> -> memref<1x128x128xf32, #tpu.memory_space<vmem>>
      %dma_start3A_481 = tpu.memref_squeeze %dma_start3A_480 : memref<1x128x128xf32, #tpu.memory_space<vmem>> -> memref<128x128xf32, #tpu.memory_space<vmem>>
      %dma_start3A_482 = arith.constant 0 : i32
      %dma_start3A_483 = tpu.memref_slice %arg9[%rem3A_474, %rem3A_476, %dma_start3A_482] : memref<2x8x128xi32, #tpu.memory_space<vmem>> -> memref<1x1x128xi32, #tpu.memory_space<vmem>>
      %dma_start3A_484 = tpu.memref_squeeze %dma_start3A_483 : memref<1x1x128xi32, #tpu.memory_space<vmem>> -> memref<128xi32, #tpu.memory_space<vmem>>
      %dma_start3A_485 = arith.constant 0 : i32
      %dma_start3A_486 = arith.constant 0 : i32
      %dma_start3A_487 = tpu.memref_slice %arg12[%dma_start3A_485, %dma_start3A_486] : memref<10240x128xf32, #tpu.memory_space<vmem_shared>> -> memref<10240x128xf32, #tpu.memory_space<vmem_shared>>
      tpu.enqueue_indirect_dma source(%dma_start3A_481 : memref<128x128xf32, #tpu.memory_space<vmem>>) target(%dma_start3A_487 : memref<10240x128xf32, #tpu.memory_space<vmem_shared>>) offsets(%dma_start3A_484 : memref<128xi32, #tpu.memory_space<vmem>>) semaphore(%arg19 : memref<!tpu.dma_semaphore, #tpu.memory_space<semaphore_mem>>) {add = true}
      %jit3A_488 = arith.constant 8 : i32
      %div3A_489 = arith.divsi %add3A_372, %jit3A_488 : i32
      %sign3A_490 = arith.constant 0 : i32
      %sign3A_491 = arith.cmpi sgt, %add3A_372, %sign3A_490 : i32
      %sign3A_492 = arith.extui %sign3A_491 : i1 to i32
      %sign3A_493 = arith.constant 0 : i32
      %sign3A_494 = arith.cmpi slt, %add3A_372, %sign3A_493 : i32
      %sign3A_495 = arith.extui %sign3A_494 : i1 to i32
      %sign3A_496 = arith.subi %sign3A_492, %sign3A_495 : i32
      %sign3A_497 = arith.constant 0 : i32
      %sign3A_498 = arith.cmpi sgt, %jit3A_488, %sign3A_497 : i32
      %sign3A_499 = arith.extui %sign3A_498 : i1 to i32
      %sign3A_500 = arith.constant 0 : i32
      %sign3A_501 = arith.cmpi slt, %jit3A_488, %sign3A_500 : i32
      %sign3A_502 = arith.extui %sign3A_501 : i1 to i32
      %sign3A_503 = arith.subi %sign3A_499, %sign3A_502 : i32
      %ne3A_504 = arith.cmpi ne, %sign3A_496, %sign3A_503 : i32
      %rem3A_505 = arith.remsi %add3A_372, %jit3A_488 : i32
      %ne3A_506 = arith.constant 0 : i32
      %ne3A_507 = arith.cmpi ne, %rem3A_505, %ne3A_506 : i32
      %and3A_508 = arith.andi %ne3A_504, %ne3A_507 : i1
      %sub3A_509 = arith.constant 1 : i32
      %sub3A_510 = arith.subi %div3A_489, %sub3A_509 : i32
      %select_n3A_511 = arith.select %and3A_508, %sub3A_510, %div3A_489 : i32
      %rem3A_512 = arith.constant 2 : i32
      %rem3A_513 = arith.remsi %select_n3A_511, %rem3A_512 : i32
      %rem3A_514 = arith.constant 8 : i32
      %rem3A_515 = arith.remsi %add3A_372, %rem3A_514 : i32
      %dma_start3A_516 = arith.constant 1 : i32
      %dma_start3A_517 = arith.constant 0 : i32
      %dma_start3A_518 = tpu.memref_slice %arg10[%dma_start3A_516, %dma_start3A_517] : memref<2x128xf32, #tpu.memory_space<vmem>> -> memref<1x128xf32, #tpu.memory_space<vmem>>
      %dma_start3A_519 = tpu.memref_squeeze %dma_start3A_518 : memref<1x128xf32, #tpu.memory_space<vmem>> -> memref<128xf32, #tpu.memory_space<vmem>>
      %dma_start3A_520 = arith.constant 0 : i32
      %dma_start3A_521 = tpu.memref_slice %arg9[%rem3A_513, %rem3A_515, %dma_start3A_520] : memref<2x8x128xi32, #tpu.memory_space<vmem>> -> memref<1x1x128xi32, #tpu.memory_space<vmem>>
      %dma_start3A_522 = tpu.memref_squeeze %dma_start3A_521 : memref<1x1x128xi32, #tpu.memory_space<vmem>> -> memref<128xi32, #tpu.memory_space<vmem>>
      %dma_start3A_523 = arith.constant 0 : i32
      %dma_start3A_524 = tpu.memref_slice %arg13[%dma_start3A_523] : memref<10240xf32, #tpu.memory_space<vmem_shared>> -> memref<10240xf32, #tpu.memory_space<vmem_shared>>
      tpu.enqueue_indirect_dma source(%dma_start3A_519 : memref<128xf32, #tpu.memory_space<vmem>>) target(%dma_start3A_524 : memref<10240xf32, #tpu.memory_space<vmem_shared>>) offsets(%dma_start3A_522 : memref<128xi32, #tpu.memory_space<vmem>>) semaphore(%arg21 : memref<!tpu.dma_semaphore, #tpu.memory_space<semaphore_mem>>) {add = true}
      %add3A_525 = arith.constant 2 : i32
      %add3A_526 = arith.addi %add3A_372, %add3A_525 : i32
      %lt3A_527 = arith.constant 80 : i32
      %lt3A_528 = arith.cmpi slt, %add3A_526, %lt3A_527 : i32
      %convert_element_type3A_529 = arith.extui %lt3A_528 : i1 to i32
      %cond3A_530 = arith.constant 0 : i32
      %cond3A_531 = arith.cmpi ne, %convert_element_type3A_529, %cond3A_530 : i32
      scf.if %cond3A_531 {
        %ge3A = arith.constant 2 : i32
        %ge3A_533 = arith.cmpi sge, %add3A_526, %ge3A : i32
        %convert_element_type3A_534 = arith.extui %ge3A_533 : i1 to i32
        %cond3A_535 = arith.constant 0 : i32
        %cond3A_536 = arith.cmpi ne, %convert_element_type3A_534, %cond3A_535 : i32
        scf.if %cond3A_536 {
          %sub3A_620 = arith.constant 2 : i32
          %sub3A_621 = arith.subi %add3A_526, %sub3A_620 : i32
          %jit3A_622 = arith.constant 8 : i32
          %div3A_623 = arith.divsi %sub3A_621, %jit3A_622 : i32
          %sign3A_624 = arith.constant 0 : i32
          %sign3A_625 = arith.cmpi sgt, %sub3A_621, %sign3A_624 : i32
          %sign3A_626 = arith.extui %sign3A_625 : i1 to i32
          %sign3A_627 = arith.constant 0 : i32
          %sign3A_628 = arith.cmpi slt, %sub3A_621, %sign3A_627 : i32
          %sign3A_629 = arith.extui %sign3A_628 : i1 to i32
          %sign3A_630 = arith.subi %sign3A_626, %sign3A_629 : i32
          %sign3A_631 = arith.constant 0 : i32
          %sign3A_632 = arith.cmpi sgt, %jit3A_622, %sign3A_631 : i32
          %sign3A_633 = arith.extui %sign3A_632 : i1 to i32
          %sign3A_634 = arith.constant 0 : i32
          %sign3A_635 = arith.cmpi slt, %jit3A_622, %sign3A_634 : i32
          %sign3A_636 = arith.extui %sign3A_635 : i1 to i32
          %sign3A_637 = arith.subi %sign3A_633, %sign3A_636 : i32
          %ne3A_638 = arith.cmpi ne, %sign3A_630, %sign3A_637 : i32
          %rem3A_639 = arith.remsi %sub3A_621, %jit3A_622 : i32
          %ne3A_640 = arith.constant 0 : i32
          %ne3A_641 = arith.cmpi ne, %rem3A_639, %ne3A_640 : i32
          %and3A_642 = arith.andi %ne3A_638, %ne3A_641 : i1
          %sub3A_643 = arith.constant 1 : i32
          %sub3A_644 = arith.subi %div3A_623, %sub3A_643 : i32
          %select_n3A_645 = arith.select %and3A_642, %sub3A_644, %div3A_623 : i32
          %rem3A_646 = arith.constant 2 : i32
          %rem3A_647 = arith.remsi %select_n3A_645, %rem3A_646 : i32
          %rem3A_648 = arith.constant 8 : i32
          %rem3A_649 = arith.remsi %sub3A_621, %rem3A_648 : i32
          %dma_wait3A_650 = arith.constant 1 : i32
          %dma_wait3A_651 = arith.constant 0 : i32
          %dma_wait3A_652 = arith.constant 0 : i32
          %dma_wait3A_653 = tpu.memref_slice %arg11[%dma_wait3A_650, %dma_wait3A_651, %dma_wait3A_652] : memref<2x128x128xf32, #tpu.memory_space<vmem>> -> memref<1x128x128xf32, #tpu.memory_space<vmem>>
          %dma_wait3A_654 = tpu.memref_squeeze %dma_wait3A_653 : memref<1x128x128xf32, #tpu.memory_space<vmem>> -> memref<128x128xf32, #tpu.memory_space<vmem>>
          %dma_wait3A_655 = arith.constant 0 : i32
          %dma_wait3A_656 = tpu.memref_slice %arg9[%rem3A_647, %rem3A_649, %dma_wait3A_655] : memref<2x8x128xi32, #tpu.memory_space<vmem>> -> memref<1x1x128xi32, #tpu.memory_space<vmem>>
          %dma_wait3A_657 = tpu.memref_squeeze %dma_wait3A_656 : memref<1x1x128xi32, #tpu.memory_space<vmem>> -> memref<128xi32, #tpu.memory_space<vmem>>
          %dma_wait3A_658 = arith.constant 0 : i32
          %dma_wait3A_659 = arith.constant 0 : i32
          %dma_wait3A_660 = tpu.memref_slice %arg12[%dma_wait3A_658, %dma_wait3A_659] : memref<10240x128xf32, #tpu.memory_space<vmem_shared>> -> memref<10240x128xf32, #tpu.memory_space<vmem_shared>>
          tpu.wait_indirect_dma semaphore(%arg19 : memref<!tpu.dma_semaphore, #tpu.memory_space<semaphore_mem>>) src(%dma_wait3A_654 : memref<128x128xf32, #tpu.memory_space<vmem>>) dst(%dma_wait3A_660 : memref<10240x128xf32, #tpu.memory_space<vmem_shared>>)
          %jit3A_661 = arith.constant 8 : i32
          %div3A_662 = arith.divsi %sub3A_621, %jit3A_661 : i32
          %sign3A_663 = arith.constant 0 : i32
          %sign3A_664 = arith.cmpi sgt, %sub3A_621, %sign3A_663 : i32
          %sign3A_665 = arith.extui %sign3A_664 : i1 to i32
          %sign3A_666 = arith.constant 0 : i32
          %sign3A_667 = arith.cmpi slt, %sub3A_621, %sign3A_666 : i32
          %sign3A_668 = arith.extui %sign3A_667 : i1 to i32
          %sign3A_669 = arith.subi %sign3A_665, %sign3A_668 : i32
          %sign3A_670 = arith.constant 0 : i32
          %sign3A_671 = arith.cmpi sgt, %jit3A_661, %sign3A_670 : i32
          %sign3A_672 = arith.extui %sign3A_671 : i1 to i32
          %sign3A_673 = arith.constant 0 : i32
          %sign3A_674 = arith.cmpi slt, %jit3A_661, %sign3A_673 : i32
          %sign3A_675 = arith.extui %sign3A_674 : i1 to i32
          %sign3A_676 = arith.subi %sign3A_672, %sign3A_675 : i32
          %ne3A_677 = arith.cmpi ne, %sign3A_669, %sign3A_676 : i32
          %rem3A_678 = arith.remsi %sub3A_621, %jit3A_661 : i32
          %ne3A_679 = arith.constant 0 : i32
          %ne3A_680 = arith.cmpi ne, %rem3A_678, %ne3A_679 : i32
          %and3A_681 = arith.andi %ne3A_677, %ne3A_680 : i1
          %sub3A_682 = arith.constant 1 : i32
          %sub3A_683 = arith.subi %div3A_662, %sub3A_682 : i32
          %select_n3A_684 = arith.select %and3A_681, %sub3A_683, %div3A_662 : i32
          %rem3A_685 = arith.constant 2 : i32
          %rem3A_686 = arith.remsi %select_n3A_684, %rem3A_685 : i32
          %rem3A_687 = arith.constant 8 : i32
          %rem3A_688 = arith.remsi %sub3A_621, %rem3A_687 : i32
          %dma_wait3A_689 = arith.constant 1 : i32
          %dma_wait3A_690 = arith.constant 0 : i32
          %dma_wait3A_691 = tpu.memref_slice %arg10[%dma_wait3A_689, %dma_wait3A_690] : memref<2x128xf32, #tpu.memory_space<vmem>> -> memref<1x128xf32, #tpu.memory_space<vmem>>
          %dma_wait3A_692 = tpu.memref_squeeze %dma_wait3A_691 : memref<1x128xf32, #tpu.memory_space<vmem>> -> memref<128xf32, #tpu.memory_space<vmem>>
          %dma_wait3A_693 = arith.constant 0 : i32
          %dma_wait3A_694 = tpu.memref_slice %arg9[%rem3A_686, %rem3A_688, %dma_wait3A_693] : memref<2x8x128xi32, #tpu.memory_space<vmem>> -> memref<1x1x128xi32, #tpu.memory_space<vmem>>
          %dma_wait3A_695 = tpu.memref_squeeze %dma_wait3A_694 : memref<1x1x128xi32, #tpu.memory_space<vmem>> -> memref<128xi32, #tpu.memory_space<vmem>>
          %dma_wait3A_696 = arith.constant 0 : i32
          %dma_wait3A_697 = tpu.memref_slice %arg13[%dma_wait3A_696] : memref<10240xf32, #tpu.memory_space<vmem_shared>> -> memref<10240xf32, #tpu.memory_space<vmem_shared>>
          tpu.wait_indirect_dma semaphore(%arg21 : memref<!tpu.dma_semaphore, #tpu.memory_space<semaphore_mem>>) src(%dma_wait3A_692 : memref<128xf32, #tpu.memory_space<vmem>>) dst(%dma_wait3A_697 : memref<10240xf32, #tpu.memory_space<vmem_shared>>)
        } else {
        }
        %rem3A_537 = arith.constant 8 : i32
        %rem3A_538 = arith.remsi %add3A_526, %rem3A_537 : i32
        %eq3A_539 = arith.constant 0 : i32
        %eq3A_540 = arith.cmpi eq, %rem3A_538, %eq3A_539 : i32
        %convert_element_type3A_541 = arith.extui %eq3A_540 : i1 to i32
        %cond3A_542 = arith.constant 0 : i32
        %cond3A_543 = arith.cmpi ne, %convert_element_type3A_541, %cond3A_542 : i32
        scf.if %cond3A_543 {
          %jit3A_620 = arith.constant 8 : i32
          %div3A_621 = arith.divsi %add3A_526, %jit3A_620 : i32
          %sign3A_622 = arith.constant 0 : i32
          %sign3A_623 = arith.cmpi sgt, %add3A_526, %sign3A_622 : i32
          %sign3A_624 = arith.extui %sign3A_623 : i1 to i32
          %sign3A_625 = arith.constant 0 : i32
          %sign3A_626 = arith.cmpi slt, %add3A_526, %sign3A_625 : i32
          %sign3A_627 = arith.extui %sign3A_626 : i1 to i32
          %sign3A_628 = arith.subi %sign3A_624, %sign3A_627 : i32
          %sign3A_629 = arith.constant 0 : i32
          %sign3A_630 = arith.cmpi sgt, %jit3A_620, %sign3A_629 : i32
          %sign3A_631 = arith.extui %sign3A_630 : i1 to i32
          %sign3A_632 = arith.constant 0 : i32
          %sign3A_633 = arith.cmpi slt, %jit3A_620, %sign3A_632 : i32
          %sign3A_634 = arith.extui %sign3A_633 : i1 to i32
          %sign3A_635 = arith.subi %sign3A_631, %sign3A_634 : i32
          %ne3A_636 = arith.cmpi ne, %sign3A_628, %sign3A_635 : i32
          %rem3A_637 = arith.remsi %add3A_526, %jit3A_620 : i32
          %ne3A_638 = arith.constant 0 : i32
          %ne3A_639 = arith.cmpi ne, %rem3A_637, %ne3A_638 : i32
          %and3A_640 = arith.andi %ne3A_636, %ne3A_639 : i1
          %sub3A_641 = arith.constant 1 : i32
          %sub3A_642 = arith.subi %div3A_621, %sub3A_641 : i32
          %select_n3A_643 = arith.select %and3A_640, %sub3A_642, %div3A_621 : i32
          %rem3A_644 = arith.constant 2 : i32
          %rem3A_645 = arith.remsi %select_n3A_643, %rem3A_644 : i32
          %mul3A_646 = arith.constant 8 : i32
          %mul3A_647 = arith.muli %select_n3A_643, %mul3A_646 : i32
          %add3A_648 = arith.addi %mul3A_57, %mul3A_647 : i32
          "tpu.region"() ({
            %run_scoped3A_652 = tpu.sem_alloc : memref<!tpu.dma_semaphore, #tpu.memory_space<semaphore_mem>>
            %dma_start3A_653 = arith.constant 0 : i32
            %dma_start3A_654 = arith.constant 0 : i32
            %dma_start3A_655 = tpu.memref_slice %arg8[%rem3A_645, %dma_start3A_653, %dma_start3A_654] : memref<2x8x128xi32, #tpu.memory_space<vmem>> -> memref<1x8x128xi32, #tpu.memory_space<vmem>>
            %dma_start3A_656 = tpu.memref_squeeze %dma_start3A_655 : memref<1x8x128xi32, #tpu.memory_space<vmem>> -> memref<8x128xi32, #tpu.memory_space<vmem>>
            %dma_start3A_657 = arith.constant 0 : i32
            %dma_start3A_658 = tpu.memref_slice %arg2[%add3A_648, %dma_start3A_657] : memref<2560x128xi32, #tpu.memory_space<hbm>> -> memref<8x128xi32, #tpu.memory_space<hbm>>
            %dma_start3A_659 = arith.constant 0 : i32
            %dma_start3A_660 = arith.constant 0 : i32
            %dma_start3A_661 = tpu.memref_slice %arg8[%rem3A_645, %dma_start3A_659, %dma_start3A_660] : memref<2x8x128xi32, #tpu.memory_space<vmem>> -> memref<1x8x128xi32, #tpu.memory_space<vmem>>
            %dma_start3A_662 = tpu.memref_squeeze %dma_start3A_661 : memref<1x8x128xi32, #tpu.memory_space<vmem>> -> memref<8x128xi32, #tpu.memory_space<vmem>>
            %dma_start3A_663 = arith.constant 0 : i32
            %dma_start3A_664 = tpu.memref_slice %arg2[%add3A_648, %dma_start3A_663] : memref<2560x128xi32, #tpu.memory_space<hbm>> -> memref<8x128xi32, #tpu.memory_space<hbm>>
            tpu.enqueue_dma source(%dma_start3A_664 : memref<8x128xi32, #tpu.memory_space<hbm>>) target(%dma_start3A_662 : memref<8x128xi32, #tpu.memory_space<vmem>>) target_semaphore(%run_scoped3A_652 : memref<!tpu.dma_semaphore, #tpu.memory_space<semaphore_mem>>)
            %dma_wait3A_665 = arith.constant 0 : i32
            %dma_wait3A_666 = arith.constant 0 : i32
            %dma_wait3A_667 = tpu.memref_slice %arg8[%rem3A_645, %dma_wait3A_665, %dma_wait3A_666] : memref<2x8x128xi32, #tpu.memory_space<vmem>> -> memref<1x8x128xi32, #tpu.memory_space<vmem>>
            %dma_wait3A_668 = tpu.memref_squeeze %dma_wait3A_667 : memref<1x8x128xi32, #tpu.memory_space<vmem>> -> memref<8x128xi32, #tpu.memory_space<vmem>>
            %dma_wait3A_669 = arith.constant 0 : i32
            %dma_wait3A_670 = tpu.memref_slice %arg2[%add3A_648, %dma_wait3A_669] : memref<2560x128xi32, #tpu.memory_space<hbm>> -> memref<8x128xi32, #tpu.memory_space<hbm>>
            %dma_wait3A_671 = arith.constant 0 : i32
            %dma_wait3A_672 = arith.constant 0 : i32
            %dma_wait3A_673 = tpu.memref_slice %arg8[%rem3A_645, %dma_wait3A_671, %dma_wait3A_672] : memref<2x8x128xi32, #tpu.memory_space<vmem>> -> memref<1x8x128xi32, #tpu.memory_space<vmem>>
            %dma_wait3A_674 = tpu.memref_squeeze %dma_wait3A_673 : memref<1x8x128xi32, #tpu.memory_space<vmem>> -> memref<8x128xi32, #tpu.memory_space<vmem>>
            %dma_wait3A_675 = arith.constant 0 : i32
            %dma_wait3A_676 = tpu.memref_slice %arg2[%add3A_648, %dma_wait3A_675] : memref<2560x128xi32, #tpu.memory_space<hbm>> -> memref<8x128xi32, #tpu.memory_space<hbm>>
            tpu.wait_dma2 semaphore(%run_scoped3A_652 : memref<!tpu.dma_semaphore, #tpu.memory_space<semaphore_mem>>) src(%dma_wait3A_676 : memref<8x128xi32, #tpu.memory_space<hbm>>) dst(%dma_wait3A_674 : memref<8x128xi32, #tpu.memory_space<vmem>>)
            tpu.yield
          }) : () -> ()
          %mul3A_649 = arith.constant 8 : i32
          %mul3A_650 = arith.muli %select_n3A_643, %mul3A_649 : i32
          %add3A_651 = arith.addi %mul3A_57, %mul3A_650 : i32
          "tpu.region"() ({
            %run_scoped3A_652 = tpu.sem_alloc : memref<!tpu.dma_semaphore, #tpu.memory_space<semaphore_mem>>
            %dma_start3A_653 = arith.constant 0 : i32
            %dma_start3A_654 = arith.constant 0 : i32
            %dma_start3A_655 = tpu.memref_slice %arg9[%rem3A_645, %dma_start3A_653, %dma_start3A_654] : memref<2x8x128xi32, #tpu.memory_space<vmem>> -> memref<1x8x128xi32, #tpu.memory_space<vmem>>
            %dma_start3A_656 = tpu.memref_squeeze %dma_start3A_655 : memref<1x8x128xi32, #tpu.memory_space<vmem>> -> memref<8x128xi32, #tpu.memory_space<vmem>>
            %dma_start3A_657 = arith.constant 0 : i32
            %dma_start3A_658 = tpu.memref_slice %arg3[%add3A_651, %dma_start3A_657] : memref<2560x128xi32, #tpu.memory_space<hbm>> -> memref<8x128xi32, #tpu.memory_space<hbm>>
            %dma_start3A_659 = arith.constant 0 : i32
            %dma_start3A_660 = arith.constant 0 : i32
            %dma_start3A_661 = tpu.memref_slice %arg9[%rem3A_645, %dma_start3A_659, %dma_start3A_660] : memref<2x8x128xi32, #tpu.memory_space<vmem>> -> memref<1x8x128xi32, #tpu.memory_space<vmem>>
            %dma_start3A_662 = tpu.memref_squeeze %dma_start3A_661 : memref<1x8x128xi32, #tpu.memory_space<vmem>> -> memref<8x128xi32, #tpu.memory_space<vmem>>
            %dma_start3A_663 = arith.constant 0 : i32
            %dma_start3A_664 = tpu.memref_slice %arg3[%add3A_651, %dma_start3A_663] : memref<2560x128xi32, #tpu.memory_space<hbm>> -> memref<8x128xi32, #tpu.memory_space<hbm>>
            tpu.enqueue_dma source(%dma_start3A_664 : memref<8x128xi32, #tpu.memory_space<hbm>>) target(%dma_start3A_662 : memref<8x128xi32, #tpu.memory_space<vmem>>) target_semaphore(%run_scoped3A_652 : memref<!tpu.dma_semaphore, #tpu.memory_space<semaphore_mem>>)
            %dma_wait3A_665 = arith.constant 0 : i32
            %dma_wait3A_666 = arith.constant 0 : i32
            %dma_wait3A_667 = tpu.memref_slice %arg9[%rem3A_645, %dma_wait3A_665, %dma_wait3A_666] : memref<2x8x128xi32, #tpu.memory_space<vmem>> -> memref<1x8x128xi32, #tpu.memory_space<vmem>>
            %dma_wait3A_668 = tpu.memref_squeeze %dma_wait3A_667 : memref<1x8x128xi32, #tpu.memory_space<vmem>> -> memref<8x128xi32, #tpu.memory_space<vmem>>
            %dma_wait3A_669 = arith.constant 0 : i32
            %dma_wait3A_670 = tpu.memref_slice %arg3[%add3A_651, %dma_wait3A_669] : memref<2560x128xi32, #tpu.memory_space<hbm>> -> memref<8x128xi32, #tpu.memory_space<hbm>>
            %dma_wait3A_671 = arith.constant 0 : i32
            %dma_wait3A_672 = arith.constant 0 : i32
            %dma_wait3A_673 = tpu.memref_slice %arg9[%rem3A_645, %dma_wait3A_671, %dma_wait3A_672] : memref<2x8x128xi32, #tpu.memory_space<vmem>> -> memref<1x8x128xi32, #tpu.memory_space<vmem>>
            %dma_wait3A_674 = tpu.memref_squeeze %dma_wait3A_673 : memref<1x8x128xi32, #tpu.memory_space<vmem>> -> memref<8x128xi32, #tpu.memory_space<vmem>>
            %dma_wait3A_675 = arith.constant 0 : i32
            %dma_wait3A_676 = tpu.memref_slice %arg3[%add3A_651, %dma_wait3A_675] : memref<2560x128xi32, #tpu.memory_space<hbm>> -> memref<8x128xi32, #tpu.memory_space<hbm>>
            tpu.wait_dma2 semaphore(%run_scoped3A_652 : memref<!tpu.dma_semaphore, #tpu.memory_space<semaphore_mem>>) src(%dma_wait3A_676 : memref<8x128xi32, #tpu.memory_space<hbm>>) dst(%dma_wait3A_674 : memref<8x128xi32, #tpu.memory_space<vmem>>)
            tpu.yield
          }) : () -> ()
        } else {
        }
        %jit3A_544 = arith.constant 8 : i32
        %div3A_545 = arith.divsi %add3A_526, %jit3A_544 : i32
        %sign3A_546 = arith.constant 0 : i32
        %sign3A_547 = arith.cmpi sgt, %add3A_526, %sign3A_546 : i32
        %sign3A_548 = arith.extui %sign3A_547 : i1 to i32
        %sign3A_549 = arith.constant 0 : i32
        %sign3A_550 = arith.cmpi slt, %add3A_526, %sign3A_549 : i32
        %sign3A_551 = arith.extui %sign3A_550 : i1 to i32
        %sign3A_552 = arith.subi %sign3A_548, %sign3A_551 : i32
        %sign3A_553 = arith.constant 0 : i32
        %sign3A_554 = arith.cmpi sgt, %jit3A_544, %sign3A_553 : i32
        %sign3A_555 = arith.extui %sign3A_554 : i1 to i32
        %sign3A_556 = arith.constant 0 : i32
        %sign3A_557 = arith.cmpi slt, %jit3A_544, %sign3A_556 : i32
        %sign3A_558 = arith.extui %sign3A_557 : i1 to i32
        %sign3A_559 = arith.subi %sign3A_555, %sign3A_558 : i32
        %ne3A_560 = arith.cmpi ne, %sign3A_552, %sign3A_559 : i32
        %rem3A_561 = arith.remsi %add3A_526, %jit3A_544 : i32
        %ne3A_562 = arith.constant 0 : i32
        %ne3A_563 = arith.cmpi ne, %rem3A_561, %ne3A_562 : i32
        %and3A_564 = arith.andi %ne3A_560, %ne3A_563 : i1
        %sub3A_565 = arith.constant 1 : i32
        %sub3A_566 = arith.subi %div3A_545, %sub3A_565 : i32
        %select_n3A_567 = arith.select %and3A_564, %sub3A_566, %div3A_545 : i32
        %rem3A_568 = arith.constant 2 : i32
        %rem3A_569 = arith.remsi %select_n3A_567, %rem3A_568 : i32
        %rem3A_570 = arith.constant 8 : i32
        %rem3A_571 = arith.remsi %add3A_526, %rem3A_570 : i32
        %dma_start3A_572 = arith.constant 1 : i32
        %dma_start3A_573 = arith.constant 0 : i32
        %dma_start3A_574 = arith.constant 0 : i32
        %dma_start3A_575 = tpu.memref_slice %arg11[%dma_start3A_572, %dma_start3A_573, %dma_start3A_574] : memref<2x128x128xf32, #tpu.memory_space<vmem>> -> memref<1x128x128xf32, #tpu.memory_space<vmem>>
        %dma_start3A_576 = tpu.memref_squeeze %dma_start3A_575 : memref<1x128x128xf32, #tpu.memory_space<vmem>> -> memref<128x128xf32, #tpu.memory_space<vmem>>
        %dma_start3A_577 = arith.constant 0 : i32
        %dma_start3A_578 = tpu.memref_slice %arg8[%rem3A_569, %rem3A_571, %dma_start3A_577] : memref<2x8x128xi32, #tpu.memory_space<vmem>> -> memref<1x1x128xi32, #tpu.memory_space<vmem>>
        %dma_start3A_579 = tpu.memref_squeeze %dma_start3A_578 : memref<1x1x128xi32, #tpu.memory_space<vmem>> -> memref<128xi32, #tpu.memory_space<vmem>>
        %dma_start3A_580 = arith.constant 0 : i32
        %dma_start3A_581 = arith.constant 0 : i32
        %dma_start3A_582 = tpu.memref_slice %arg5[%dma_start3A_580, %dma_start3A_581] : memref<10000x128xf32, #tpu.memory_space<hbm>> -> memref<10000x128xf32, #tpu.memory_space<hbm>>
        tpu.enqueue_indirect_dma source(%dma_start3A_582 : memref<10000x128xf32, #tpu.memory_space<hbm>>) target(%dma_start3A_576 : memref<128x128xf32, #tpu.memory_space<vmem>>) offsets(%dma_start3A_579 : memref<128xi32, #tpu.memory_space<vmem>>) semaphore(%arg15 : memref<!tpu.dma_semaphore, #tpu.memory_space<semaphore_mem>>)
        %jit3A_583 = arith.constant 8 : i32
        %div3A_584 = arith.divsi %add3A_526, %jit3A_583 : i32
        %sign3A_585 = arith.constant 0 : i32
        %sign3A_586 = arith.cmpi sgt, %add3A_526, %sign3A_585 : i32
        %sign3A_587 = arith.extui %sign3A_586 : i1 to i32
        %sign3A_588 = arith.constant 0 : i32
        %sign3A_589 = arith.cmpi slt, %add3A_526, %sign3A_588 : i32
        %sign3A_590 = arith.extui %sign3A_589 : i1 to i32
        %sign3A_591 = arith.subi %sign3A_587, %sign3A_590 : i32
        %sign3A_592 = arith.constant 0 : i32
        %sign3A_593 = arith.cmpi sgt, %jit3A_583, %sign3A_592 : i32
        %sign3A_594 = arith.extui %sign3A_593 : i1 to i32
        %sign3A_595 = arith.constant 0 : i32
        %sign3A_596 = arith.cmpi slt, %jit3A_583, %sign3A_595 : i32
        %sign3A_597 = arith.extui %sign3A_596 : i1 to i32
        %sign3A_598 = arith.subi %sign3A_594, %sign3A_597 : i32
        %ne3A_599 = arith.cmpi ne, %sign3A_591, %sign3A_598 : i32
        %rem3A_600 = arith.remsi %add3A_526, %jit3A_583 : i32
        %ne3A_601 = arith.constant 0 : i32
        %ne3A_602 = arith.cmpi ne, %rem3A_600, %ne3A_601 : i32
        %and3A_603 = arith.andi %ne3A_599, %ne3A_602 : i1
        %sub3A_604 = arith.constant 1 : i32
        %sub3A_605 = arith.subi %div3A_584, %sub3A_604 : i32
        %select_n3A_606 = arith.select %and3A_603, %sub3A_605, %div3A_584 : i32
        %rem3A_607 = arith.constant 2 : i32
        %rem3A_608 = arith.remsi %select_n3A_606, %rem3A_607 : i32
        %rem3A_609 = arith.constant 8 : i32
        %rem3A_610 = arith.remsi %add3A_526, %rem3A_609 : i32
        %dma_start3A_611 = arith.constant 1 : i32
        %dma_start3A_612 = arith.constant 0 : i32
        %dma_start3A_613 = tpu.memref_slice %arg10[%dma_start3A_611, %dma_start3A_612] : memref<2x128xf32, #tpu.memory_space<vmem>> -> memref<1x128xf32, #tpu.memory_space<vmem>>
        %dma_start3A_614 = tpu.memref_squeeze %dma_start3A_613 : memref<1x128xf32, #tpu.memory_space<vmem>> -> memref<128xf32, #tpu.memory_space<vmem>>
        %dma_start3A_615 = arith.constant 0 : i32
        %dma_start3A_616 = tpu.memref_slice %arg8[%rem3A_608, %rem3A_610, %dma_start3A_615] : memref<2x8x128xi32, #tpu.memory_space<vmem>> -> memref<1x1x128xi32, #tpu.memory_space<vmem>>
        %dma_start3A_617 = tpu.memref_squeeze %dma_start3A_616 : memref<1x1x128xi32, #tpu.memory_space<vmem>> -> memref<128xi32, #tpu.memory_space<vmem>>
        %dma_start3A_618 = arith.constant 0 : i32
        %dma_start3A_619 = tpu.memref_slice %arg4[%dma_start3A_618] : memref<10000xf32, #tpu.memory_space<hbm>> -> memref<10000xf32, #tpu.memory_space<hbm>>
        tpu.enqueue_indirect_dma source(%dma_start3A_619 : memref<10000xf32, #tpu.memory_space<hbm>>) target(%dma_start3A_614 : memref<128xf32, #tpu.memory_space<vmem>>) offsets(%dma_start3A_617 : memref<128xi32, #tpu.memory_space<vmem>>) semaphore(%arg17 : memref<!tpu.dma_semaphore, #tpu.memory_space<semaphore_mem>>)
      } else {
      }
      %scan3A_532 = arith.constant 0 : i32
      scf.yield %scan3A_532 : i32
    }
    %scan3A_133 = arith.constant 40 : i32
    %rem3A_134 = arith.constant 9 : i32
    %rem3A_135 = arith.constant 2 : i32
    %rem3A_136 = arith.remsi %rem3A_134, %rem3A_135 : i32
    %rem3A_137 = arith.constant 78 : i32
    %rem3A_138 = arith.constant 8 : i32
    %rem3A_139 = arith.remsi %rem3A_137, %rem3A_138 : i32
    %dma_wait3A = arith.constant 0 : i32
    %dma_wait3A_140 = arith.constant 0 : i32
    %dma_wait3A_141 = arith.constant 0 : i32
    %dma_wait3A_142 = tpu.memref_slice %arg11[%dma_wait3A, %dma_wait3A_140, %dma_wait3A_141] : memref<2x128x128xf32, #tpu.memory_space<vmem>> -> memref<1x128x128xf32, #tpu.memory_space<vmem>>
    %dma_wait3A_143 = tpu.memref_squeeze %dma_wait3A_142 : memref<1x128x128xf32, #tpu.memory_space<vmem>> -> memref<128x128xf32, #tpu.memory_space<vmem>>
    %dma_wait3A_144 = arith.constant 0 : i32
    %dma_wait3A_145 = tpu.memref_slice %arg9[%rem3A_136, %rem3A_139, %dma_wait3A_144] : memref<2x8x128xi32, #tpu.memory_space<vmem>> -> memref<1x1x128xi32, #tpu.memory_space<vmem>>
    %dma_wait3A_146 = tpu.memref_squeeze %dma_wait3A_145 : memref<1x1x128xi32, #tpu.memory_space<vmem>> -> memref<128xi32, #tpu.memory_space<vmem>>
    %dma_wait3A_147 = arith.constant 0 : i32
    %dma_wait3A_148 = arith.constant 0 : i32
    %dma_wait3A_149 = tpu.memref_slice %arg12[%dma_wait3A_147, %dma_wait3A_148] : memref<10240x128xf32, #tpu.memory_space<vmem_shared>> -> memref<10240x128xf32, #tpu.memory_space<vmem_shared>>
    tpu.wait_indirect_dma semaphore(%arg18 : memref<!tpu.dma_semaphore, #tpu.memory_space<semaphore_mem>>) src(%dma_wait3A_143 : memref<128x128xf32, #tpu.memory_space<vmem>>) dst(%dma_wait3A_149 : memref<10240x128xf32, #tpu.memory_space<vmem_shared>>)
    %rem3A_150 = arith.constant 9 : i32
    %rem3A_151 = arith.constant 2 : i32
    %rem3A_152 = arith.remsi %rem3A_150, %rem3A_151 : i32
    %rem3A_153 = arith.constant 78 : i32
    %rem3A_154 = arith.constant 8 : i32
    %rem3A_155 = arith.remsi %rem3A_153, %rem3A_154 : i32
    %dma_wait3A_156 = arith.constant 0 : i32
    %dma_wait3A_157 = arith.constant 0 : i32
    %dma_wait3A_158 = tpu.memref_slice %arg10[%dma_wait3A_156, %dma_wait3A_157] : memref<2x128xf32, #tpu.memory_space<vmem>> -> memref<1x128xf32, #tpu.memory_space<vmem>>
    %dma_wait3A_159 = tpu.memref_squeeze %dma_wait3A_158 : memref<1x128xf32, #tpu.memory_space<vmem>> -> memref<128xf32, #tpu.memory_space<vmem>>
    %dma_wait3A_160 = arith.constant 0 : i32
    %dma_wait3A_161 = tpu.memref_slice %arg9[%rem3A_152, %rem3A_155, %dma_wait3A_160] : memref<2x8x128xi32, #tpu.memory_space<vmem>> -> memref<1x1x128xi32, #tpu.memory_space<vmem>>
    %dma_wait3A_162 = tpu.memref_squeeze %dma_wait3A_161 : memref<1x1x128xi32, #tpu.memory_space<vmem>> -> memref<128xi32, #tpu.memory_space<vmem>>
    %dma_wait3A_163 = arith.constant 0 : i32
    %dma_wait3A_164 = tpu.memref_slice %arg13[%dma_wait3A_163] : memref<10240xf32, #tpu.memory_space<vmem_shared>> -> memref<10240xf32, #tpu.memory_space<vmem_shared>>
    tpu.wait_indirect_dma semaphore(%arg20 : memref<!tpu.dma_semaphore, #tpu.memory_space<semaphore_mem>>) src(%dma_wait3A_159 : memref<128xf32, #tpu.memory_space<vmem>>) dst(%dma_wait3A_164 : memref<10240xf32, #tpu.memory_space<vmem_shared>>)
    %rem3A_165 = arith.constant 9 : i32
    %rem3A_166 = arith.constant 2 : i32
    %rem3A_167 = arith.remsi %rem3A_165, %rem3A_166 : i32
    %rem3A_168 = arith.constant 79 : i32
    %rem3A_169 = arith.constant 8 : i32
    %rem3A_170 = arith.remsi %rem3A_168, %rem3A_169 : i32
    %dma_wait3A_171 = arith.constant 1 : i32
    %dma_wait3A_172 = arith.constant 0 : i32
    %dma_wait3A_173 = arith.constant 0 : i32
    %dma_wait3A_174 = tpu.memref_slice %arg11[%dma_wait3A_171, %dma_wait3A_172, %dma_wait3A_173] : memref<2x128x128xf32, #tpu.memory_space<vmem>> -> memref<1x128x128xf32, #tpu.memory_space<vmem>>
    %dma_wait3A_175 = tpu.memref_squeeze %dma_wait3A_174 : memref<1x128x128xf32, #tpu.memory_space<vmem>> -> memref<128x128xf32, #tpu.memory_space<vmem>>
    %dma_wait3A_176 = arith.constant 0 : i32
    %dma_wait3A_177 = tpu.memref_slice %arg9[%rem3A_167, %rem3A_170, %dma_wait3A_176] : memref<2x8x128xi32, #tpu.memory_space<vmem>> -> memref<1x1x128xi32, #tpu.memory_space<vmem>>
    %dma_wait3A_178 = tpu.memref_squeeze %dma_wait3A_177 : memref<1x1x128xi32, #tpu.memory_space<vmem>> -> memref<128xi32, #tpu.memory_space<vmem>>
    %dma_wait3A_179 = arith.constant 0 : i32
    %dma_wait3A_180 = arith.constant 0 : i32
    %dma_wait3A_181 = tpu.memref_slice %arg12[%dma_wait3A_179, %dma_wait3A_180] : memref<10240x128xf32, #tpu.memory_space<vmem_shared>> -> memref<10240x128xf32, #tpu.memory_space<vmem_shared>>
    tpu.wait_indirect_dma semaphore(%arg19 : memref<!tpu.dma_semaphore, #tpu.memory_space<semaphore_mem>>) src(%dma_wait3A_175 : memref<128x128xf32, #tpu.memory_space<vmem>>) dst(%dma_wait3A_181 : memref<10240x128xf32, #tpu.memory_space<vmem_shared>>)
    %rem3A_182 = arith.constant 9 : i32
    %rem3A_183 = arith.constant 2 : i32
    %rem3A_184 = arith.remsi %rem3A_182, %rem3A_183 : i32
    %rem3A_185 = arith.constant 79 : i32
    %rem3A_186 = arith.constant 8 : i32
    %rem3A_187 = arith.remsi %rem3A_185, %rem3A_186 : i32
    %dma_wait3A_188 = arith.constant 1 : i32
    %dma_wait3A_189 = arith.constant 0 : i32
    %dma_wait3A_190 = tpu.memref_slice %arg10[%dma_wait3A_188, %dma_wait3A_189] : memref<2x128xf32, #tpu.memory_space<vmem>> -> memref<1x128xf32, #tpu.memory_space<vmem>>
    %dma_wait3A_191 = tpu.memref_squeeze %dma_wait3A_190 : memref<1x128xf32, #tpu.memory_space<vmem>> -> memref<128xf32, #tpu.memory_space<vmem>>
    %dma_wait3A_192 = arith.constant 0 : i32
    %dma_wait3A_193 = tpu.memref_slice %arg9[%rem3A_184, %rem3A_187, %dma_wait3A_192] : memref<2x8x128xi32, #tpu.memory_space<vmem>> -> memref<1x1x128xi32, #tpu.memory_space<vmem>>
    %dma_wait3A_194 = tpu.memref_squeeze %dma_wait3A_193 : memref<1x1x128xi32, #tpu.memory_space<vmem>> -> memref<128xi32, #tpu.memory_space<vmem>>
    %dma_wait3A_195 = arith.constant 0 : i32
    %dma_wait3A_196 = tpu.memref_slice %arg13[%dma_wait3A_195] : memref<10240xf32, #tpu.memory_space<vmem_shared>> -> memref<10240xf32, #tpu.memory_space<vmem_shared>>
    tpu.wait_indirect_dma semaphore(%arg21 : memref<!tpu.dma_semaphore, #tpu.memory_space<semaphore_mem>>) src(%dma_wait3A_191 : memref<128xf32, #tpu.memory_space<vmem>>) dst(%dma_wait3A_196 : memref<10240xf32, #tpu.memory_space<vmem_shared>>)
    %barrier3A_197 = arith.constant 0 : index
    tpu.barrier barrier_id(%barrier3A_197)
    %mul3A_198 = arith.constant 624 : i32
    %mul3A_199 = arith.muli %arg1, %mul3A_198 : i32
    %lt3A = arith.constant 15 : i32
    %lt3A_200 = arith.cmpi slt, %arg1, %lt3A : i32
    %convert_element_type3A = arith.extui %lt3A_200 : i1 to i32
    %cond3A = arith.constant 0 : i32
    %cond3A_201 = arith.cmpi ne, %convert_element_type3A, %cond3A : i32
    scf.if %cond3A_201 {
      "tpu.region"() ({
        %run_scoped3A_211 = tpu.sem_alloc : memref<!tpu.dma_semaphore, #tpu.memory_space<semaphore_mem>>
        %dma_start3A_212 = arith.constant 0 : i32
        %dma_start3A_213 = tpu.memref_slice %arg6[%arg0, %mul3A_199, %dma_start3A_212] : memref<2x10000x128xf32, #tpu.memory_space<hbm>> -> memref<1x624x128xf32, #tpu.memory_space<hbm>>
        %dma_start3A_214 = tpu.memref_squeeze %dma_start3A_213 : memref<1x624x128xf32, #tpu.memory_space<hbm>> -> memref<624x128xf32, #tpu.memory_space<hbm>>
        %dma_start3A_215 = arith.constant 0 : i32
        %dma_start3A_216 = tpu.memref_slice %arg12[%mul3A_199, %dma_start3A_215] : memref<10240x128xf32, #tpu.memory_space<vmem_shared>> -> memref<624x128xf32, #tpu.memory_space<vmem_shared>>
        tpu.enqueue_dma source(%dma_start3A_216 : memref<624x128xf32, #tpu.memory_space<vmem_shared>>) target(%dma_start3A_214 : memref<624x128xf32, #tpu.memory_space<hbm>>) target_semaphore(%run_scoped3A_211 : memref<!tpu.dma_semaphore, #tpu.memory_space<semaphore_mem>>)
        %dma_wait3A_217 = arith.constant 0 : i32
        %dma_wait3A_218 = tpu.memref_slice %arg6[%arg0, %mul3A_199, %dma_wait3A_217] : memref<2x10000x128xf32, #tpu.memory_space<hbm>> -> memref<1x624x128xf32, #tpu.memory_space<hbm>>
        %dma_wait3A_219 = tpu.memref_squeeze %dma_wait3A_218 : memref<1x624x128xf32, #tpu.memory_space<hbm>> -> memref<624x128xf32, #tpu.memory_space<hbm>>
        %dma_wait3A_220 = arith.constant 0 : i32
        %dma_wait3A_221 = tpu.memref_slice %arg12[%mul3A_199, %dma_wait3A_220] : memref<10240x128xf32, #tpu.memory_space<vmem_shared>> -> memref<624x128xf32, #tpu.memory_space<vmem_shared>>
        tpu.wait_dma2 semaphore(%run_scoped3A_211 : memref<!tpu.dma_semaphore, #tpu.memory_space<semaphore_mem>>) src(%dma_wait3A_221 : memref<624x128xf32, #tpu.memory_space<vmem_shared>>) dst(%dma_wait3A_219 : memref<624x128xf32, #tpu.memory_space<hbm>>)
        tpu.yield
      }) : () -> ()
    } else {
    }
    %eq3A = arith.constant 15 : i32
    %eq3A_202 = arith.cmpi eq, %arg1, %eq3A : i32
    %convert_element_type3A_203 = arith.extui %eq3A_202 : i1 to i32
    %cond3A_204 = arith.constant 0 : i32
    %cond3A_205 = arith.cmpi ne, %convert_element_type3A_203, %cond3A_204 : i32
    scf.if %cond3A_205 {
      "tpu.region"() ({
        %run_scoped3A_211 = tpu.sem_alloc : memref<!tpu.dma_semaphore, #tpu.memory_space<semaphore_mem>>
        %dma_start3A_212 = arith.constant 0 : i32
        %dma_start3A_213 = tpu.memref_slice %arg6[%arg0, %mul3A_199, %dma_start3A_212] : memref<2x10000x128xf32, #tpu.memory_space<hbm>> -> memref<1x640x128xf32, #tpu.memory_space<hbm>>
        %dma_start3A_214 = tpu.memref_squeeze %dma_start3A_213 : memref<1x640x128xf32, #tpu.memory_space<hbm>> -> memref<640x128xf32, #tpu.memory_space<hbm>>
        %dma_start3A_215 = arith.constant 0 : i32
        %dma_start3A_216 = tpu.memref_slice %arg12[%mul3A_199, %dma_start3A_215] : memref<10240x128xf32, #tpu.memory_space<vmem_shared>> -> memref<640x128xf32, #tpu.memory_space<vmem_shared>>
        tpu.enqueue_dma source(%dma_start3A_216 : memref<640x128xf32, #tpu.memory_space<vmem_shared>>) target(%dma_start3A_214 : memref<640x128xf32, #tpu.memory_space<hbm>>) target_semaphore(%run_scoped3A_211 : memref<!tpu.dma_semaphore, #tpu.memory_space<semaphore_mem>>)
        %dma_wait3A_217 = arith.constant 0 : i32
        %dma_wait3A_218 = tpu.memref_slice %arg6[%arg0, %mul3A_199, %dma_wait3A_217] : memref<2x10000x128xf32, #tpu.memory_space<hbm>> -> memref<1x640x128xf32, #tpu.memory_space<hbm>>
        %dma_wait3A_219 = tpu.memref_squeeze %dma_wait3A_218 : memref<1x640x128xf32, #tpu.memory_space<hbm>> -> memref<640x128xf32, #tpu.memory_space<hbm>>
        %dma_wait3A_220 = arith.constant 0 : i32
        %dma_wait3A_221 = tpu.memref_slice %arg12[%mul3A_199, %dma_wait3A_220] : memref<10240x128xf32, #tpu.memory_space<vmem_shared>> -> memref<640x128xf32, #tpu.memory_space<vmem_shared>>
        tpu.wait_dma2 semaphore(%run_scoped3A_211 : memref<!tpu.dma_semaphore, #tpu.memory_space<semaphore_mem>>) src(%dma_wait3A_221 : memref<640x128xf32, #tpu.memory_space<vmem_shared>>) dst(%dma_wait3A_219 : memref<640x128xf32, #tpu.memory_space<hbm>>)
        tpu.yield
      }) : () -> ()
    } else {
    }
    %mul3A_206 = arith.constant 640 : i32
    %mul3A_207 = arith.muli %arg1, %mul3A_206 : i32
    %mul3A_208 = arith.constant 10240 : i32
    %mul3A_209 = arith.muli %arg0, %mul3A_208 : i32
    %add3A_210 = arith.addi %mul3A_209, %mul3A_207 : i32
    "tpu.region"() ({
      %run_scoped3A_211 = tpu.sem_alloc : memref<!tpu.dma_semaphore, #tpu.memory_space<semaphore_mem>>
      %dma_start3A_212 = tpu.memref_slice %arg7[%add3A_210] : memref<20480xf32, #tpu.memory_space<hbm>> -> memref<640xf32, #tpu.memory_space<hbm>>
      %dma_start3A_213 = tpu.memref_slice %arg13[%mul3A_207] : memref<10240xf32, #tpu.memory_space<vmem_shared>> -> memref<640xf32, #tpu.memory_space<vmem_shared>>
      tpu.enqueue_dma source(%dma_start3A_213 : memref<640xf32, #tpu.memory_space<vmem_shared>>) target(%dma_start3A_212 : memref<640xf32, #tpu.memory_space<hbm>>) target_semaphore(%run_scoped3A_211 : memref<!tpu.dma_semaphore, #tpu.memory_space<semaphore_mem>>)
      %dma_wait3A_214 = tpu.memref_slice %arg7[%add3A_210] : memref<20480xf32, #tpu.memory_space<hbm>> -> memref<640xf32, #tpu.memory_space<hbm>>
      %dma_wait3A_215 = tpu.memref_slice %arg13[%mul3A_207] : memref<10240xf32, #tpu.memory_space<vmem_shared>> -> memref<640xf32, #tpu.memory_space<vmem_shared>>
      tpu.wait_dma2 semaphore(%run_scoped3A_211 : memref<!tpu.dma_semaphore, #tpu.memory_space<semaphore_mem>>) src(%dma_wait3A_215 : memref<640xf32, #tpu.memory_space<vmem_shared>>) dst(%dma_wait3A_214 : memref<640xf32, #tpu.memory_space<hbm>>)
      tpu.yield
    }) : () -> ()
    return
  }
}

module attributes {stable_mosaic.version = 14 : i64} {
  func.func @_prescale_body(%arg0: i32, %arg1: memref<1000x1xf32, #tpu.memory_space<vmem>>, %arg2: memref<1000x128xf32, #tpu.memory_space<vmem>>, %arg3: memref<1000x1xf32, #tpu.memory_space<vmem>>, %arg4: memref<1000x128xf32, #tpu.memory_space<vmem>>) attributes {dimension_semantics = [#tpu.dimension_semantics<arbitrary>], iteration_bounds = array<i64: 10>, scalar_prefetch = 0 : i64, scratch_operands = 0 : i64, tpu.core_type = #tpu.core_type<tc>, window_params = [{transform_indices = @transform_0, window_bounds = array<i64: 1000, 1>}, {transform_indices = @transform_1, window_bounds = array<i64: 1000, 128>}, {transform_indices = @transform_2, window_bounds = array<i64: 1000, 1>}, {transform_indices = @transform_3, window_bounds = array<i64: 1000, 128>}]} {
    %get3A = arith.constant 0 : index
    %get3A_0 = arith.constant 0 : index
    %get3A_1 = vector.load %arg1[%get3A, %get3A_0] : memref<1000x1xf32, #tpu.memory_space<vmem>>, vector<1000x1xf32>
    %exp3A = math.exp %get3A_1 : vector<1000x1xf32>
    %swap3A = arith.constant 0 : index
    %swap3A_2 = arith.constant 0 : index
    %swap3A_3 = vector.load %arg3[%swap3A, %swap3A_2] : memref<1000x1xf32, #tpu.memory_space<vmem>>, vector<1000x1xf32>
    tpu.vector_store %arg3[%swap3A, %swap3A_2], %exp3A {strides = array<i32>} : memref<1000x1xf32, #tpu.memory_space<vmem>>, vector<1000x1xf32>,
    %get3A_4 = arith.constant 0 : index
    %get3A_5 = arith.constant 0 : index
    %get3A_6 = vector.load %arg2[%get3A_4, %get3A_5] : memref<1000x128xf32, #tpu.memory_space<vmem>>, vector<1000x128xf32>
    %mul3A = vector.broadcast %exp3A : vector<1000x1xf32> to vector<1000x128xf32>
    %mul3A_7 = arith.mulf %mul3A, %get3A_6 : vector<1000x128xf32>
    %swap3A_8 = arith.constant 0 : index
    %swap3A_9 = arith.constant 0 : index
    %swap3A_10 = vector.load %arg4[%swap3A_8, %swap3A_9] : memref<1000x128xf32, #tpu.memory_space<vmem>>, vector<1000x128xf32>
    tpu.vector_store %arg4[%swap3A_8, %swap3A_9], %mul3A_7 {strides = array<i32>} : memref<1000x128xf32, #tpu.memory_space<vmem>>, vector<1000x128xf32>,
    return
  }
  func.func @transform_0(%arg0: i32) -> (i32, i32) {
    %c0_i32 = arith.constant 0 : i32
    %c0_i32_0 = arith.constant 0 : i32
    return %arg0, %c0_i32 : i32, i32
  }
  func.func @transform_1(%arg0: i32) -> (i32, i32) {
    %c0_i32 = arith.constant 0 : i32
    %c0_i32_0 = arith.constant 0 : i32
    return %arg0, %c0_i32 : i32, i32
  }
  func.func @transform_2(%arg0: i32) -> (i32, i32) {
    %c0_i32 = arith.constant 0 : i32
    %c0_i32_0 = arith.constant 0 : i32
    return %arg0, %c0_i32 : i32, i32
  }
  func.func @transform_3(%arg0: i32) -> (i32, i32) {
    %c0_i32 = arith.constant 0 : i32
    %c0_i32_0 = arith.constant 0 : i32
    return %arg0, %c0_i32 : i32, i32
  }
}

module attributes {stable_mosaic.version = 14 : i64} {
  func.func @_tc_body(%arg0: i32, %arg1: memref<1000x128xf32, #tpu.memory_space<vmem>>, %arg2: memref<1000x128xf32, #tpu.memory_space<vmem>>, %arg3: memref<1000x1xf32, #tpu.memory_space<vmem>>, %arg4: memref<1000x1xf32, #tpu.memory_space<vmem>>, %arg5: memref<1000x128xf32, #tpu.memory_space<vmem>>, %arg6: memref<1000x1xi32, #tpu.memory_space<vmem>>, %arg7: memref<8x128xf32, #tpu.memory_space<vmem>>, %arg8: memref<128x128xf32, #tpu.memory_space<vmem>>, %arg9: memref<1x128xf32, #tpu.memory_space<vmem>>, %arg10: memref<128x1xf32, #tpu.memory_space<vmem>>, %arg11: memref<1x1xf32, #tpu.memory_space<vmem>>, %arg12: memref<256x128xf32, #tpu.memory_space<vmem>>, %arg13: memref<1x128xf32, #tpu.memory_space<vmem>>, %arg14: memref<1000x1xf32, #tpu.memory_space<vmem>>, %arg15: memref<1000x128xf32, #tpu.memory_space<vmem>>, %arg16: memref<1x1xf32, #tpu.memory_space<smem>>) attributes {dimension_semantics = [#tpu.dimension_semantics<arbitrary>], iteration_bounds = array<i64: 10>, scalar_prefetch = 0 : i64, scratch_operands = 0 : i64, tpu.core_type = #tpu.core_type<tc>, window_params = [{transform_indices = @transform_0, window_bounds = array<i64: 1000, 128>}, {transform_indices = @transform_1, window_bounds = array<i64: 1000, 128>}, {transform_indices = @transform_2, window_bounds = array<i64: 1000, 1>}, {transform_indices = @transform_3, window_bounds = array<i64: 1000, 1>}, {transform_indices = @transform_4, window_bounds = array<i64: 1000, 128>}, {transform_indices = @transform_5, window_bounds = array<i64: 1000, 1>}, {pipeline_mode = #tpu.pipeline_mode<synchronous>, transform_indices = @transform_6, window_bounds = array<i64: 8, 128>}, {pipeline_mode = #tpu.pipeline_mode<synchronous>, transform_indices = @transform_7, window_bounds = array<i64: 128, 128>}, {pipeline_mode = #tpu.pipeline_mode<synchronous>, transform_indices = @transform_8, window_bounds = array<i64: 1, 128>}, {pipeline_mode = #tpu.pipeline_mode<synchronous>, transform_indices = @transform_9, window_bounds = array<i64: 128, 1>}, {pipeline_mode = #tpu.pipeline_mode<synchronous>, transform_indices = @transform_10, window_bounds = array<i64: 1, 1>}, {pipeline_mode = #tpu.pipeline_mode<synchronous>, transform_indices = @transform_11, window_bounds = array<i64: 256, 128>}, {pipeline_mode = #tpu.pipeline_mode<synchronous>, transform_indices = @transform_12, window_bounds = array<i64: 1, 128>}, {transform_indices = @transform_13, window_bounds = array<i64: 1000, 1>}, {transform_indices = @transform_14, window_bounds = array<i64: 1000, 128>}, {transform_indices = @transform_15, window_bounds = array<i64: 1, 1>}]} {
    %get3A = arith.constant 0 : index
    %get3A_0 = arith.constant 0 : index
    %get3A_1 = vector.load %arg3[%get3A, %get3A_0] : memref<1000x1xf32, #tpu.memory_space<vmem>>, vector<1000x1xf32>
    %get3A_2 = arith.constant 0 : index
    %get3A_3 = arith.constant 0 : index
    %get3A_4 = vector.load %arg4[%get3A_2, %get3A_3] : memref<1000x1xf32, #tpu.memory_space<vmem>>, vector<1000x1xf32>
    %add3A = arith.addf %get3A_1, %get3A_4 : vector<1000x1xf32>
    %get3A_5 = arith.constant 0 : index
    %get3A_6 = arith.constant 0 : index
    %get3A_7 = vector.load %arg1[%get3A_5, %get3A_6] : memref<1000x128xf32, #tpu.memory_space<vmem>>, vector<1000x128xf32>
    %get3A_8 = arith.constant 0 : index
    %get3A_9 = arith.constant 0 : index
    %get3A_10 = vector.load %arg2[%get3A_8, %get3A_9] : memref<1000x128xf32, #tpu.memory_space<vmem>>, vector<1000x128xf32>
    %add3A_11 = arith.addf %get3A_7, %get3A_10 : vector<1000x128xf32>
    %add3A_12 = arith.constant 9.99999968E-21 : f32
    %add3A_13 = vector.broadcast %add3A_12 : f32 to vector<1000x1xf32>
    %add3A_14 = arith.addf %add3A, %add3A_13 : vector<1000x1xf32>
    %div3A = vector.broadcast %add3A_14 : vector<1000x1xf32> to vector<1000x128xf32>
    %div3A_15 = arith.divf %add3A_11, %div3A : vector<1000x128xf32>
    %get3A_16 = arith.constant 0 : index
    %get3A_17 = arith.constant 0 : index
    %get3A_18 = vector.load %arg5[%get3A_16, %get3A_17] : memref<1000x128xf32, #tpu.memory_space<vmem>>, vector<1000x128xf32>
    %get3A_19 = arith.constant 0 : index
    %get3A_20 = arith.constant 0 : index
    %get3A_21 = vector.load %arg8[%get3A_19, %get3A_20] : memref<128x128xf32, #tpu.memory_space<vmem>>, vector<128x128xf32>
    %dot_general3A = arith.constant dense<0.000000e+00> : vector<1000x128xf32>
    %dot_general3A_22 = tpu.matmul %get3A_18, %get3A_21, %dot_general3A {dimension_numbers = #tpu.dot_dimension_numbers<[1], [0], [0], [1], [0, 0, 1, 1], [], []>, transpose_lhs_hint = false} : vector<1000x128xf32>, vector<128x128xf32>, vector<1000x128xf32> -> vector<1000x128xf32>
    %get3A_23 = arith.constant 0 : index
    %get3A_24 = arith.constant 0 : index
    %get3A_25 = vector.load %arg9[%get3A_23, %get3A_24] : memref<1x128xf32, #tpu.memory_space<vmem>>, vector<1x128xf32>
    %add3A_26 = vector.broadcast %get3A_25 : vector<1x128xf32> to vector<1000x128xf32>
    %add3A_27 = arith.addf %dot_general3A_22, %add3A_26 : vector<1000x128xf32>
    %gt3A = arith.constant 0.000000e+00 : f32
    %gt3A_28 = vector.broadcast %gt3A : f32 to vector<1000x128xf32>
    %gt3A_29 = arith.cmpf ogt, %add3A_27, %gt3A_28 : vector<1000x128xf32>
    %mul3A = arith.constant 0.00999999977 : f32
    %mul3A_30 = vector.broadcast %mul3A : f32 to vector<1000x128xf32>
    %mul3A_31 = arith.mulf %mul3A_30, %add3A_27 : vector<1000x128xf32>
    %select_n3A = arith.select %gt3A_29, %add3A_27, %mul3A_31 : vector<1000x128xi1>, vector<1000x128xf32>
    %swap3A = arith.constant 0 : index
    %swap3A_32 = arith.constant 0 : index
    %swap3A_33 = vector.load %arg15[%swap3A, %swap3A_32] : memref<1000x128xf32, #tpu.memory_space<vmem>>, vector<1000x128xf32>
    tpu.vector_store %arg15[%swap3A, %swap3A_32], %select_n3A {strides = array<i32>} : memref<1000x128xf32, #tpu.memory_space<vmem>>, vector<1000x128xf32>,
    %get3A_34 = arith.constant 0 : index
    %get3A_35 = arith.constant 0 : index
    %get3A_36 = vector.load %arg10[%get3A_34, %get3A_35] : memref<128x1xf32, #tpu.memory_space<vmem>>, vector<128x1xf32>
    %dot_general3A_37 = arith.constant dense<0.000000e+00> : vector<1000x1xf32>
    %dot_general3A_38 = tpu.matmul %select_n3A, %get3A_36, %dot_general3A_37 {dimension_numbers = #tpu.dot_dimension_numbers<[1], [0], [0], [1], [0, 0, 1, 1], [], []>, transpose_lhs_hint = false} : vector<1000x128xf32>, vector<128x1xf32>, vector<1000x1xf32> -> vector<1000x1xf32>
    %get3A_39 = arith.constant 0 : index
    %get3A_40 = arith.constant 0 : index
    %get3A_41 = vector.load %arg11[%get3A_39, %get3A_40] : memref<1x1xf32, #tpu.memory_space<vmem>>, vector<1x1xf32>
    %add3A_42 = vector.broadcast %get3A_41 : vector<1x1xf32> to vector<1000x1xf32>
    %add3A_43 = arith.addf %dot_general3A_38, %add3A_42 : vector<1000x1xf32>
    %swap3A_44 = arith.constant 0 : index
    %swap3A_45 = arith.constant 0 : index
    %swap3A_46 = vector.load %arg14[%swap3A_44, %swap3A_45] : memref<1000x1xf32, #tpu.memory_space<vmem>>, vector<1000x1xf32>
    tpu.vector_store %arg14[%swap3A_44, %swap3A_45], %add3A_43 {strides = array<i32>} : memref<1000x1xf32, #tpu.memory_space<vmem>>, vector<1000x1xf32>,
    %get3A_47 = arith.constant 0 : index
    %get3A_48 = arith.constant 0 : index
    %get3A_49 = vector.load %arg12[%get3A_47, %get3A_48] : memref<256x128xf32, #tpu.memory_space<vmem>>, vector<256x128xf32>
    %get3A_50 = arith.constant 0 : index
    %get3A_51 = arith.constant 0 : index
    %get3A_52 = vector.load %arg7[%get3A_50, %get3A_51] : memref<8x128xf32, #tpu.memory_space<vmem>>, vector<8x128xf32>
    %slice3A = vector.extract_strided_slice %get3A_49 {offsets = [128, 0], sizes = [128, 128], strides = [1, 1]} : vector<256x128xf32> to vector<128x128xf32>
    %dot_general3A_53 = arith.constant dense<0.000000e+00> : vector<8x128xf32>
    %dot_general3A_54 = tpu.matmul %get3A_52, %slice3A, %dot_general3A_53 {dimension_numbers = #tpu.dot_dimension_numbers<[1], [0], [0], [1], [0, 0, 1, 1], [], []>, transpose_lhs_hint = false} : vector<8x128xf32>, vector<128x128xf32>, vector<8x128xf32> -> vector<8x128xf32>
    %get3A_55 = arith.constant 0 : index
    %get3A_56 = arith.constant 0 : index
    %get3A_57 = vector.load %arg6[%get3A_55, %get3A_56] : memref<1000x1xi32, #tpu.memory_space<vmem>>, vector<1000x1xi32>
    %iota3A = tpu.iota {dimensions = array<i32: 1>} : vector<1x8xi32>
    %eq3A = vector.broadcast %get3A_57 : vector<1000x1xi32> to vector<1000x8xi32>
    %eq3A_58 = vector.broadcast %iota3A : vector<1x8xi32> to vector<1000x8xi32>
    %eq3A_59 = arith.cmpi eq, %eq3A, %eq3A_58 : vector<1000x8xi32>
    %convert_element_type3A = arith.extui %eq3A_59 : vector<1000x8xi1> to vector<1000x8xi32>
    %convert_element_type3A_60 = arith.sitofp %convert_element_type3A : vector<1000x8xi32> to vector<1000x8xf32>
    %slice3A_61 = vector.extract_strided_slice %get3A_49 {offsets = [0, 0], sizes = [128, 128], strides = [1, 1]} : vector<256x128xf32> to vector<128x128xf32>
    %dot_general3A_62 = arith.constant dense<0.000000e+00> : vector<1000x128xf32>
    %dot_general3A_63 = tpu.matmul %div3A_15, %slice3A_61, %dot_general3A_62 {dimension_numbers = #tpu.dot_dimension_numbers<[1], [0], [0], [1], [0, 0, 1, 1], [], []>, transpose_lhs_hint = false} : vector<1000x128xf32>, vector<128x128xf32>, vector<1000x128xf32> -> vector<1000x128xf32>
    %dot_general3A_64 = arith.constant dense<0.000000e+00> : vector<1000x128xf32>
    %dot_general3A_65 = tpu.matmul %convert_element_type3A_60, %dot_general3A_54, %dot_general3A_64 {dimension_numbers = #tpu.dot_dimension_numbers<[1], [0], [0], [1], [0, 0, 1, 1], [], []>, transpose_lhs_hint = false} : vector<1000x8xf32>, vector<8x128xf32>, vector<1000x128xf32> -> vector<1000x128xf32>
    %add3A_66 = arith.addf %dot_general3A_63, %dot_general3A_65 : vector<1000x128xf32>
    %get3A_67 = arith.constant 0 : index
    %get3A_68 = arith.constant 0 : index
    %get3A_69 = vector.load %arg13[%get3A_67, %get3A_68] : memref<1x128xf32, #tpu.memory_space<vmem>>, vector<1x128xf32>
    %add3A_70 = vector.broadcast %get3A_69 : vector<1x128xf32> to vector<1000x128xf32>
    %add3A_71 = arith.addf %add3A_66, %add3A_70 : vector<1000x128xf32>
    %gt3A_72 = arith.constant 0.000000e+00 : f32
    %gt3A_73 = vector.broadcast %gt3A_72 : f32 to vector<1000x128xf32>
    %gt3A_74 = arith.cmpf ogt, %add3A_71, %gt3A_73 : vector<1000x128xf32>
    %mul3A_75 = arith.constant 0.00999999977 : f32
    %mul3A_76 = vector.broadcast %mul3A_75 : f32 to vector<1000x128xf32>
    %mul3A_77 = arith.mulf %mul3A_76, %add3A_71 : vector<1000x128xf32>
    %select_n3A_78 = arith.select %gt3A_74, %add3A_71, %mul3A_77 : vector<1000x128xi1>, vector<1000x128xf32>
    %mul3A_79 = arith.mulf %select_n3A, %select_n3A : vector<1000x128xf32>
    %reduce_sum3A = arith.constant dense<0.000000e+00> : vector<1000xf32>
    %reduce_sum3A_80 = vector.multi_reduction <add>, %mul3A_79, %reduce_sum3A [1] : vector<1000x128xf32> to vector<1000xf32>
    %broadcast_in_dim3A = vector.shape_cast %reduce_sum3A_80 : vector<1000xf32> to vector<1000x1xf32>
    %sqrt3A = math.sqrt %broadcast_in_dim3A : vector<1000x1xf32>
    %max3A = arith.constant 9.99999993E-9 : f32
    %max3A_81 = vector.broadcast %max3A : f32 to vector<1000x1xf32>
    %max3A_82 = arith.maximumf %sqrt3A, %max3A_81 : vector<1000x1xf32>
    %mul3A_83 = arith.mulf %select_n3A_78, %select_n3A_78 : vector<1000x128xf32>
    %reduce_sum3A_84 = arith.constant dense<0.000000e+00> : vector<1000xf32>
    %reduce_sum3A_85 = vector.multi_reduction <add>, %mul3A_83, %reduce_sum3A_84 [1] : vector<1000x128xf32> to vector<1000xf32>
    %broadcast_in_dim3A_86 = vector.shape_cast %reduce_sum3A_85 : vector<1000xf32> to vector<1000x1xf32>
    %sqrt3A_87 = math.sqrt %broadcast_in_dim3A_86 : vector<1000x1xf32>
    %max3A_88 = arith.constant 9.99999993E-9 : f32
    %max3A_89 = vector.broadcast %max3A_88 : f32 to vector<1000x1xf32>
    %max3A_90 = arith.maximumf %sqrt3A_87, %max3A_89 : vector<1000x1xf32>
    %mul3A_91 = arith.mulf %select_n3A, %select_n3A_78 : vector<1000x128xf32>
    %reduce_sum3A_92 = arith.constant dense<0.000000e+00> : vector<1000xf32>
    %reduce_sum3A_93 = vector.multi_reduction <add>, %mul3A_91, %reduce_sum3A_92 [1] : vector<1000x128xf32> to vector<1000xf32>
    %broadcast_in_dim3A_94 = vector.shape_cast %reduce_sum3A_93 : vector<1000xf32> to vector<1000x1xf32>
    %mul3A_95 = arith.mulf %max3A_82, %max3A_90 : vector<1000x1xf32>
    %div3A_96 = arith.divf %broadcast_in_dim3A_94, %mul3A_95 : vector<1000x1xf32>
    %sub3A = arith.constant 1.000000e+00 : f32
    %sub3A_97 = vector.broadcast %sub3A : f32 to vector<1000x1xf32>
    %sub3A_98 = arith.subf %sub3A_97, %div3A_96 : vector<1000x1xf32>
    %reduce_sum3A_99 = vector.shape_cast %sub3A_98 : vector<1000x1xf32> to vector<1x1000x1xf32>
    %reduce_sum3A_100 = arith.constant dense<0.000000e+00> : vector<1xf32>
    %reduce_sum3A_101 = vector.multi_reduction <add>, %reduce_sum3A_99, %reduce_sum3A_100 [1, 2] : vector<1x1000x1xf32> to vector<1xf32>
    %reduce_sum3A_102 = vector.shape_cast %reduce_sum3A_101 : vector<1xf32> to vector<1x1x1xf32>
    %reduce_sum3A_103 = vector.extract %reduce_sum3A_102[0, 0, 0] : f32 from vector<1x1x1xf32>
    %mul3A_104 = arith.constant 9.99999974E-5 : f32
    %mul3A_105 = arith.mulf %reduce_sum3A_103, %mul3A_104 : f32
    %eq3A_106 = arith.constant 0 : i32
    %eq3A_107 = arith.cmpi eq, %arg0, %eq3A_106 : i32
    %convert_element_type3A_108 = arith.extui %eq3A_107 : i1 to i32
    %cond3A = arith.constant 0 : i32
    %cond3A_109 = arith.cmpi ne, %convert_element_type3A_108, %cond3A : i32
    scf.if %cond3A_109 {
      %swap3A_117 = arith.constant 0.000000e+00 : f32
      %swap3A_118 = arith.constant 0 : index
      %swap3A_119 = arith.constant 0 : index
      %swap3A_120 = memref.load %arg16[%swap3A_118, %swap3A_119] : memref<1x1xf32, #tpu.memory_space<smem>>
      memref.store %swap3A_117, %arg16[%swap3A_118, %swap3A_119] : memref<1x1xf32, #tpu.memory_space<smem>>
    } else {
    }
    %get3A_110 = arith.constant 0 : index
    %get3A_111 = arith.constant 0 : index
    %get3A_112 = memref.load %arg16[%get3A_110, %get3A_111] : memref<1x1xf32, #tpu.memory_space<smem>>
    %add3A_113 = arith.addf %get3A_112, %mul3A_105 : f32
    %swap3A_114 = arith.constant 0 : index
    %swap3A_115 = arith.constant 0 : index
    %swap3A_116 = memref.load %arg16[%swap3A_114, %swap3A_115] : memref<1x1xf32, #tpu.memory_space<smem>>
    memref.store %add3A_113, %arg16[%swap3A_114, %swap3A_115] : memref<1x1xf32, #tpu.memory_space<smem>>
    return
  }
  func.func @transform_0(%arg0: i32) -> (i32, i32) {
    %c0_i32 = arith.constant 0 : i32
    %c0_i32_0 = arith.constant 0 : i32
    return %arg0, %c0_i32 : i32, i32
  }
  func.func @transform_1(%arg0: i32) -> (i32, i32) {
    %c0_i32 = arith.constant 0 : i32
    %c0_i32_0 = arith.constant 0 : i32
    return %arg0, %c0_i32 : i32, i32
  }
  func.func @transform_2(%arg0: i32) -> (i32, i32) {
    %c0_i32 = arith.constant 0 : i32
    %c0_i32_0 = arith.constant 0 : i32
    return %arg0, %c0_i32 : i32, i32
  }
  func.func @transform_3(%arg0: i32) -> (i32, i32) {
    %c0_i32 = arith.constant 0 : i32
    %c0_i32_0 = arith.constant 0 : i32
    return %arg0, %c0_i32 : i32, i32
  }
  func.func @transform_4(%arg0: i32) -> (i32, i32) {
    %c0_i32 = arith.constant 0 : i32
    %c0_i32_0 = arith.constant 0 : i32
    return %arg0, %c0_i32 : i32, i32
  }
  func.func @transform_5(%arg0: i32) -> (i32, i32) {
    %c0_i32 = arith.constant 0 : i32
    %c0_i32_0 = arith.constant 0 : i32
    return %arg0, %c0_i32 : i32, i32
  }
  func.func @transform_6(%arg0: i32) -> (i32, i32) {
    %c0_i32 = arith.constant 0 : i32
    %c0_i32_0 = arith.constant 0 : i32
    %c0_i32_1 = arith.constant 0 : i32
    return %c0_i32, %c0_i32_0 : i32, i32
  }
  func.func @transform_7(%arg0: i32) -> (i32, i32) {
    %c0_i32 = arith.constant 0 : i32
    %c0_i32_0 = arith.constant 0 : i32
    %c0_i32_1 = arith.constant 0 : i32
    return %c0_i32, %c0_i32_0 : i32, i32
  }
  func.func @transform_8(%arg0: i32) -> (i32, i32) {
    %c0_i32 = arith.constant 0 : i32
    %c0_i32_0 = arith.constant 0 : i32
    %c0_i32_1 = arith.constant 0 : i32
    return %c0_i32, %c0_i32_0 : i32, i32
  }
  func.func @transform_9(%arg0: i32) -> (i32, i32) {
    %c0_i32 = arith.constant 0 : i32
    %c0_i32_0 = arith.constant 0 : i32
    %c0_i32_1 = arith.constant 0 : i32
    return %c0_i32, %c0_i32_0 : i32, i32
  }
  func.func @transform_10(%arg0: i32) -> (i32, i32) {
    %c0_i32 = arith.constant 0 : i32
    %c0_i32_0 = arith.constant 0 : i32
    %c0_i32_1 = arith.constant 0 : i32
    return %c0_i32, %c0_i32_0 : i32, i32
  }
  func.func @transform_11(%arg0: i32) -> (i32, i32) {
    %c0_i32 = arith.constant 0 : i32
    %c0_i32_0 = arith.constant 0 : i32
    %c0_i32_1 = arith.constant 0 : i32
    return %c0_i32, %c0_i32_0 : i32, i32
  }
  func.func @transform_12(%arg0: i32) -> (i32, i32) {
    %c0_i32 = arith.constant 0 : i32
    %c0_i32_0 = arith.constant 0 : i32
    %c0_i32_1 = arith.constant 0 : i32
    return %c0_i32, %c0_i32_0 : i32, i32
  }
  func.func @transform_13(%arg0: i32) -> (i32, i32) {
    %c0_i32 = arith.constant 0 : i32
    %c0_i32_0 = arith.constant 0 : i32
    return %arg0, %c0_i32 : i32, i32
  }
  func.func @transform_14(%arg0: i32) -> (i32, i32) {
    %c0_i32 = arith.constant 0 : i32
    %c0_i32_0 = arith.constant 0 : i32
    return %arg0, %c0_i32 : i32, i32
  }
  func.func @transform_15(%arg0: i32) -> (i32, i32) {
    %c0_i32 = arith.constant 0 : i32
    %c0_i32_0 = arith.constant 0 : i32
    %c0_i32_1 = arith.constant 0 : i32
    return %c0_i32, %c0_i32_0 : i32, i32
  }
}

</mosaic_0001>

<sc_bundles>
// kernel: kernel.5.cloned.1.call-start
scs
__scs_entry_jumppad:
0x0: {  	(pc) =	sbr.rel $0x88, $3  }
0x1: {  	(tag) =	ssettag $0x0;
	lr =	simm.s32 $0x1  }
0x2: {  	[smem:$0x3F95] =	sst lr;
	_ =	strace $0xD0000000  }
0x3: {  	_ = 	snop  }
0x4: {  	_ = 	snop  }
0x5: {  	_ = 	snop  }
0x6: {  	_ = 	snop  }
0x7: {  	_ = 	snop  }
__scs_overlays_trampoline_lowered:
0x8: {  	[smem:$0x3FA4] =	sst s0  }
0x9: {  	[smem:$0x3FA5] =	sst s1  }
0xa: {  	[smem:$0x3FA6] =	sst s2  }
0xb: {  	[smem:$0x3FA7] =	sst s3  }
0xc: {  	[smem:$0x3FA8] =	sst s4  }
0xd: {  	[smem:$0x3FA9] =	sst s5  }
0xe: {  	[smem:$0x3FAA] =	sst s6  }
0xf: {  	[smem:$0x3FAB] =	sst s7  }
0x10: {  	[smem:$0x3FAC] =	sst s8  }
0x11: {  	[smem:$0x3FAD] =	sst s9;
	s0 =	simm.s32 @!p0 $0x0  }
0x12: {  	s1 =	sld [smem:$0x3F93];
	s0 =	simm.s32 @p0 $0x1  }
0x13: {  	[smem:$0x3FAE] =	sst s0;
	s0 =	simm.s32 @!p1 $0x0  }
0x14: {  	s2 =	sld [smem:$0x3F92];
	s0 =	simm.s32 @p1 $0x1  }
0x15: {  	[smem:$0x3FAF] =	sst s0;
	s0 =	simm.s32 @!p2 $0x0  }
0x16: {  	s3 =	sld [smem:$0x3FDB];
	s0 =	simm.s32 @p2 $0x1  }
0x17: {  	s4 =	simm.s32 $0x1BF5;
	[smem:$0x3FB1] =	sst s0  }
0x18: {  	s0 =	sld [smem:$0x3F94];
	_ =	swait.ge [sflag:s4], $0x0  }
0x19: {  	s7 =	sld [smem:$0x3F95]  }
0x1a: {  	s8 =	sadd.s32 $0xFFFFE003, lr  }
0x1b: {  	s9 =	sadd.s32 $0xFFFFFEF7, lr;
	s5 =	simm.s32 $0xFFFFFFFF;
	p2 =	slt.u32 s8, $0xFFFFF086  }
0x1c: {  	p1 =	slt.u32 s9, $0xF7A;
	s5 =	simm.s32 @!p2 $0x0  }
0x1d: {  	s5 =	simm.s32 @p1 $0x1;
	p0 =	seq.s32 s7, s2  }
0x1e: {  	s7 =	smul.u32 @!p0 $0xF7A, s2;
	p2 =	seq.s32 @!p0 s5, $0x0  }
0x1f: {  	s9 =	smul.u32 $0xF7A, s1;
	s8 =	simm.s32 @!p0 $0x1BF5;
	p2 =	por !p2, p0  }
0x20: {  	[sflag:s8] =	ssyncset.s32 @!p0 $0xFFFFF086;
	s6 =	sadd.s32 @!p0 s3, s7;
	s7 =	simm.s32 @!p0 $0x108  }
0x21: {  	s3 =	sadd.s32 s3, s9;
	s6 =	sadd.s32 @!p0 $0x88, s6;
	s7 =	simm.s32 @p2 $0x1082  }
0x22: {  	[simem:s7], [sflag:s8] =	dma.local @!p0 [hbm:s6], $0xF7A  }
0x23: {  	s9 =	sor.u32 $0xD0000000, s2;
	s6 =	simm.s32 $0x108;
	_ =	swait.ge @!p0 [sflag:s8], $0x0  }
0x24: {  	s3 =	sadd.s32 $0x88, s3;
	s6 =	simm.s32 @!p1 $0x1082;
	[sflag:s4] =	ssyncset.s32 $0xFFFFF086  }
0x25: {  	[simem:s6], [sflag:s4] =	dma.local [hbm:s3], $0xF7A  }
0x26: {  	[smem:$0x3F95] =	sst s1;
	(tag) =	ssettag s2;
	_ =	strace s9  }
0x27: {  	s1 =	sld [smem:$0x3FA5]  }
0x28: {  	s2 =	sld [smem:$0x3FA6]  }
0x29: {  	s4 =	sld [smem:$0x3FA8]  }
0x2a: {  	p0 =	seq.s32 s5, $0x0;
	s5 =	sld [smem:$0x3FA9]  }
0x2b: {  	s6 =	sld [smem:$0x3FAA]  }
0x2c: {  	s7 =	sld [smem:$0x3FAB]  }
0x2d: {  	s3 =	simm.s32 $0x108;
	s8 =	sld [smem:$0x3FAC]  }
0x2e: {  	s3 =	simm.s32 @!p0 $0x1082;
	s9 =	sld [smem:$0x3FAD]  }
0x2f: {  	lr =	sadd.s32 s0, s3;
	s0 =	sld [smem:$0x3FA4]  }
0x30: {  	s3 =	sld [smem:$0x3FA7]  }
0x31: {  	[smem:$0x3FB0] =	sst s10  }
0x32: {  	s10 =	sld [smem:$0x3FAE];
	_ =	sdelay $0x3  }
0x33: {  	p0 =	seq.s32 s10, $0x1;
	s10 =	sld [smem:$0x3FB0];
	_ =	sdelay $0x3  }
0x34: {  	[smem:$0x3FB0] =	sst s10  }
0x35: {  	s10 =	sld [smem:$0x3FAF];
	_ =	sdelay $0x3  }
0x36: {  	p1 =	seq.s32 s10, $0x1;
	s10 =	sld [smem:$0x3FB0];
	_ =	sdelay $0x3  }
0x37: {  	[smem:$0x3FB0] =	sst s10  }
0x38: {  	s10 =	sld [smem:$0x3FB1]  }
0x39: {  	_ = 	snop;
	(pc) =	sbr.ind lr, $3  }
0x3a: {  	_ = 	snop  }
0x3b: {  	_ = 	snop  }
0x3c: {  	p2 =	seq.s32 s10, $0x1;
	s10 =	sld [smem:$0x3FB0]  }
0x3d: {  	_ =	shalt  }
0x3e: {  	_ =	shalt  }
0x3f: {  	_ =	shalt  }
0x40: {  	_ =	shalt  }
0x41: {  	_ =	shalt  }
0x42: {  	_ =	shalt  }
0x43: {  	_ =	shalt  }
0x44: {  	_ =	shalt  }
0x45: {  	_ =	shalt  }
0x46: {  	_ =	shalt  }
0x47: {  	_ =	shalt  }
0x48: {  	_ =	shalt  }
0x49: {  	_ =	shalt  }
0x4a: {  	_ =	shalt  }
0x4b: {  	_ =	shalt  }
0x4c: {  	_ =	shalt  }
0x4d: {  	_ =	shalt  }
0x4e: {  	_ =	shalt  }
0x4f: {  	_ =	shalt  }
0x50: {  	_ =	shalt  }
0x51: {  	_ =	shalt  }
0x52: {  	_ =	shalt  }
0x53: {  	_ =	shalt  }
0x54: {  	_ =	shalt  }
0x55: {  	_ =	shalt  }
0x56: {  	_ =	shalt  }
0x57: {  	_ =	shalt  }
0x58: {  	_ =	shalt  }
0x59: {  	_ =	shalt  }
0x5a: {  	_ =	shalt  }
0x5b: {  	_ =	shalt  }
0x5c: {  	_ =	shalt  }
0x5d: {  	_ =	shalt  }
0x5e: {  	_ =	shalt  }
0x5f: {  	_ =	shalt  }
0x60: {  	_ =	shalt  }
0x61: {  	_ =	shalt  }
0x62: {  	_ =	shalt  }
0x63: {  	_ =	shalt  }
0x64: {  	_ =	shalt  }
0x65: {  	_ =	shalt  }
0x66: {  	_ =	shalt  }
0x67: {  	_ =	shalt  }
0x68: {  	_ =	shalt  }
0x69: {  	_ =	shalt  }
0x6a: {  	_ =	shalt  }
0x6b: {  	_ =	shalt  }
0x6c: {  	_ =	shalt  }
0x6d: {  	_ =	shalt  }
0x6e: {  	_ =	shalt  }
0x6f: {  	_ =	shalt  }
0x70: {  	_ =	shalt  }
0x71: {  	_ =	shalt  }
0x72: {  	_ =	shalt  }
0x73: {  	_ =	shalt  }
0x74: {  	_ =	shalt  }
0x75: {  	_ =	shalt  }
0x76: {  	_ =	shalt  }
0x77: {  	_ =	shalt  }
0x78: {  	_ =	shalt  }
0x79: {  	_ =	shalt  }
0x7a: {  	_ =	shalt  }
0x7b: {  	_ =	shalt  }
0x7c: {  	_ =	shalt  }
0x7d: {  	_ =	shalt  }
0x7e: {  	_ =	shalt  }
0x7f: {  	_ =	shalt  }
0x80: {  	_ =	shalt  }
0x81: {  	_ =	shalt  }
0x82: {  	_ =	shalt  }
0x83: {  	_ =	shalt  }
0x84: {  	_ =	shalt  }
0x85: {  	_ =	shalt  }
0x86: {  	_ =	shalt  }
0x87: {  	_ =	shalt  }
.Lfunc_end0:
.L_simem_size_0:
called_computation_lowered:
.L_overlay_start_0:
0x88: {  	s2 =	sld [smem:$0x3FD9]  }
0x89: {  	s3 =	sld [smem:$0x3FFE];
	_ =	sdelay $0x1  }
0x8a: {  	s1 =	srdreg.scid  }
0x8b: {  	s0 =	sand.u32 $0x1, s1  }
0x8c: {  	s14 =	sshll.u32 s0, $0xA;
	s2 =	sadd.s32 s3, s2  }
0x8d: {  	s2 =	sadd.s32 s2, s14  }
0x8e: {  	[smem:$0x3FBC] =	sst s2  }
0x8f: {  	_ = 	snop  }
0x90: {  	s2 =	sld [smem:$0x3FD0];
	_ =	sdelay $0x2  }
0x91: {  	s15 =	simm.s32 $0xA;
	s4 =	simm.s32 $0x10  }
0x92: {  	[smem:s4], [sflag:s15] =	dma.local [hbm:s2], $0x1  }
0x93: {  	_ =	swait.eq [sflag:s15], $0x1  }
0x94: {  	[sflag:s15] =	ssyncset.done $0x0  }
0x95: {  	[sflag:s15] =	ssyncadd.s32 $0xFFFFFFFF  }
0x96: {  	s16 =	sld [smem:$0x11];
	(tm) =	ssettm $0x1  }
0x97: {  	s17 =	sld [smem:$0x3FFB];
	_ =	sdelay $0x3  }
0x98: {  	_ =	strace s17  }
0x99: {  	s3 =	sld [smem:$0x3FFC];
	_ =	sdelay $0x3  }
0x9a: {  	_ =	strace s3  }
0x9b: {  	s3 =	sld [smem:$0x3FFD];
	_ =	sdelay $0x3  }
0x9c: {  	_ =	strace s3  }
0x9d: {  	_ =	strace $0x8FFFFFFF  }
0x9e: {  	s18 =	sld [smem:$0x3FDB];
	_ =	sdelay $0x1  }
0x9f: {  	s19 =	simm.s32 $_scs_section_size  }
0xa0: {  	s5 =	simm.s32 $_size__tile_overlayer_lowered;
	s6 =	simm.s32 $_tile_overlayer_lowered  }
0xa1: {  	s22 =	simm.s32 $0x1BFF;
	s21 =	sshll.u32 s6, $0x1;
	s3 =	sadd.s32 s19, s18  }
0xa2: {  	s7 =	simm.s32 $0x0;
	s20 =	sshll.u32 s5, $0x1;
	s5 =	sadd.s32 s21, s3  }
0xa3: {  	[timem:s7], [sflag:s22] =	dma.local [hbm:s5], s20  }
0xa4: {  	_ =	swait.ge [sflag:s22], s20  }
0xa5: {  	s4 =	ssub.s32 $0x0, s20;
	[sflag:s22] =	ssyncset.done $0x0  }
0xa6: {  	[sflag:s22] =	ssyncadd.s32 s4;
	_ =	sdelay $0x1  }
0xa7: {  	s23 =	simm.s32 $0x1B8B  }
0xa8: {  	_ =	swait.ge [sflag:s23], $0x1  }
0xa9: {  	[sflag:s23] =	ssyncset.done $0x0  }
0xaa: {  	s25 =	simm.s32 $0x1B8E;
	s24 =	sld [smem:$0x3FFE];
	[sflag:s23] =	ssyncadd.s32 $0xFFFFFFFF  }
0xab: {  	s26 =	simm.s32 $execute0_lowered;
	[smem:$0x3FD2] =	sst s25  }
0xac: {  	s5 =	sshll.u32 s26, $0x1;
	_ =	strace $0x80000046;
	[dreg:$0x1] =	wrdreg $0xFFFFFFFF  }
0xad: {  	s28 =	simm.s32 $_size_execute0_lowered;
	s3 =	sadd.s32 s3, s5;
	[dreg:$0x0] =	wrdreg $0x0  }
0xae: {  	s5 =	sshll.u32 s28, $0x1;
	[dreg:$0x2] =	wrdreg s3  }
0xaf: {  	[dreg:$0x3] =	wrdreg s5  }
0xb0: {  	[dreg:$0x4] =	wrdreg $0xC0  }
0xb1: {  	_ =	task [dreg:s7], $0x5FFFF  }
0xb2: {  	[dreg:$0x1] =	wrdreg $0xFFFFFFFF  }
0xb3: {  	[dreg:$0x0] =	wrdreg $0x60  }
0xb4: {  	[dreg:$0x2] =	wrdreg s24  }
0xb5: {  	[dreg:$0x3] =	wrdreg s16  }
0xb6: {  	[dreg:$0x4] =	wrdreg $0x91000  }
0xb7: {  	[dreg:$0x5] =	wrdreg $0x1D1000  }
0xb8: {  	[dreg:$0x6] =	wrdreg $0x9  }
0xb9: {  	_ =	task.clear_ibuf [dreg:s7], $0x7FFFF;
	_ =	strace $0x90000046  }
0xba: {  	s29 =	simm.s32 $0x9;
	_ =	strace $0x80000048  }
0xbb: {  	_ =	swait.ge [sflag:s29], $0x1  }
0xbc: {  	[sflag:s29] =	ssyncadd.s32 $0xFFFFFFFF  }
0xbd: {  	_ =	strace $0x90000048  }
0xbe: {  	_ =	sfence  }
0xbf: {  	s30 =	sld [smem:$0x0];
	_ =	sdelay $0x2  }
0xc0: {  	s31 =	sshll.u32 s1, $0xD;
	s1 =	sshrl.u32 s1, $0x2  }
0xc1: {  	s3 =	sand.u32 $0x4000, s31;
	s1 =	sadd.s32 s1, s30  }
0xc2: {  	s0 =	sor.u32 s3, s0;
	s1 =	sshll.u32 s1, $0x11  }
0xc3: {  	s0 =	sor.u32 s1, s0  }
0xc4: {  	s0 =	sadd.s32 $0x8F2B, s0  }
0xc5: {  	[sflag:s0] =	ssyncadd.remote.s32 $0x1  }
0xc6: {  	_ =	sfence.sel $0xFFFF  }
0xc7: {  	[dreg:$0x0] =	wrdreg $0xFFFFFFFF;
	(pc) =	sbr.abs _section_cstart, $3  }
0xc8: {  	[dreg:$0x1] =	wrdreg $0xFFFFFFFF  }
0xc9: {  	_ =	task.clear_ibuf [dreg:s7], $0x2FFFF;
	_ =	strace $0x9FFFFFFF  }
0xca: {  	(tm) =	ssettm $0x7FFFFFFF  }
0xcb: {  	_ =	shalt  }
tec
execute0_lowered:
.L_overlay_start_1:
0x0: {  	(tag) =	ssettag $0x1  }
0x1: {  	s0 =	rddreg [dreg:$0x0]  }
0x2: {  	s1 =	rddreg [dreg:$0x1]  }
0x3: {  	s3 =	rddreg [dreg:$0x2]  }
0x4: {  	s4 =	rddreg [dreg:$0x3]  }
0x5: {  	s2 =	srdreg.scid;
	s5 =	stileid.u32  }
0x6: {  	s6 =	simm.s32 $0x0;
	s28 =	simm.s32 $0x1100;
	s29 =	simm.s32 $0x9  }
0x7: {  	s30 =	simm.s32 $0x1000;
	s31 =	simm.s32 $0x80;
	s9 =	smul.u32 $0x280, s5  }
0x8: {  	s2 =	sand.u32 $0x1, s2;
	[smem:$0x7FF] =	sst s6;
	s11 =	smul.u32 $0x50000, s5  }
0x9: {  	s6 =	sadd.s32 $0xC000, s0;
	s7 =	sadd.s32 $0x2000, s0;
	s26 =	smul.u32 $0x13800, s5  }
0xa: {  	s12 =	sadd.s32 $0x16000, s0;
	p0 =	seq.s32 s5, $0xF;
	s8 =	smul.u32 $0x2800, s2  }
0xb: {  	_ =	strace $0x80000047;
	s17 =	ssub.s32 $0x2, s2;
	s24 =	sshll.u32 s2, $0x4  }
0xc: {  	s2 =	smul.u32 $0x138800, s2;
	s13 =	sshrl.u32 s17, $0x1;
	s11 =	sshrl.u32 s11, $0x2  }
0xd: {  	s15 =	sadd.s32 $0x80, s9;
	s19 =	sadd.s32 $0x100, s9;
	s20 =	sadd.s32 $0x180, s9  }
0xe: {  	s21 =	sadd.s32 s9, s4;
	s25 =	sor.u32 s5, s24;
	s10 =	sadd.s32 s9, s8  }
0xf: {  	s8 =	sadd.s32 $0x1A00, s0;
	s11 =	sadd.s32 s11, s3;
	s18 =	sshll.u32 s15, $0x7  }
0x10: {  	s14 =	sshll.u32 s19, $0x7;
	s16 =	sshll.u32 s20, $0x7;
	[dreg:$0xb] =	wrdreg s21  }
0x11: {  	s15 =	sadd.s32 s15, s4;
	s10 =	sshrl.u32 s10, $0x3;
	[dreg:$0x6] =	wrdreg s11  }
0x12: {  	s11 =	sadd.s32 s18, s3;
	s14 =	sadd.s32 s14, s3;
	s22 =	sadd.s32 s16, s3  }
0x13: {  	[dreg:$0xc] =	wrdreg s15;
	s18 =	smul.u32 $0xA, s25;
	s15 =	simm.s32 $0x4  }
0x14: {  	s16 =	simm.s32 $0x6;
	s0 =	sadd.s32 s10, s0;
	[dreg:$0x7] =	wrdreg s11  }
0x15: {  	s10 =	ssub.s32 s17, s13;
	s17 =	sadd.s32 $0x200, s9;
	[dreg:$0x8] =	wrdreg s14  }
0x16: {  	[dreg:$0x9] =	wrdreg s22;
	s11 =	sadd.s32 s19, s4;
	s13 =	sadd.s32 s20, s4  }
0x17: {  	s9 =	smul.u32 $0x500, s25;
	s19 =	sadd.s32 s26, s2;
	[dreg:$0xd] =	wrdreg s11  }
0x18: {  	s22 =	smul.u32 $0x4E000, s5;
	s2 =	sshrl.u32 s2, $0x3;
	[dreg:$0xe] =	wrdreg s13  }
0x19: {  	s23 =	sshll.u32 s17, $0x7;
	[dreg:$0x5] =	wrdreg s18;
	s20 =	sshrl.u32 s19, $0x3  }
0x1a: {  	s2 =	sadd.s32 s12, s2;
	s0 =	sadd.s32 $0x64200, s0;
	s26 =	smax.u32 s10, $0x1  }
0x1b: {  	s10 =	simm.s32 $0x1;
	s13 =	simm.s32 $0x7;
	[dreg:$0x14] =	wrdreg s0  }
0x1c: {  	s18 =	simm.s32 $0x0;
	s14 =	sadd.s32 s23, s3;
	[dreg:$0x15] =	wrdreg s26  }
0x1d: {  	s23 =	sadd.s32 s17, s4;
	s11 =	sadd.s32 s12, s20;
	[dreg:$0xa] =	wrdreg s14  }
0x1e: {  	s24 =	sadd.s32 s6, s9;
	s25 =	sshrl.u32 s22, $0x2;
	[dreg:$0xf] =	wrdreg s23  }
0x1f: {  	s9 =	sadd.s32 s7, s9;
	s2 =	sadd.s32 $0x24900, s2;
	[dreg:$0x10] =	wrdreg s11  }
0x20: {  	s0 =	sadd.s32 $0x124800, s3;
	s12 =	simm.s32 $0x5;
	[dreg:$0x11] =	wrdreg s24  }
0x21: {  	s17 =	simm.s32 $0x8;
	[dreg:$0x12] =	wrdreg s9;
	s9 =	sadd.s32 s25, s3  }
0x22: {  	[dreg:$0x13] =	wrdreg s2;
	s0 =	sshrl.u32 @p0 s0, $0x3;
	s11 =	simm.s32 $0x3  }
0x23: {  	s2 =	simm.s32 $0x2;
	[dreg:$0x16] =	wrdreg s0;
	s0 =	sshrl.u32 @!p0 s9, $0x3  }
0x24: {  	v0 =	vimm.f32 $0.0e+00;
	s9 =	simm.s32 $0x1080;
	[dreg:$0x17] =	wrdreg s0;
	s0 =	simm.s32 $0x5100  }
.LBB2_1:
0x25: {  	s19 =	simm.s32 $0x0;
	s20 =	simm.s32 $0x200  }
.LBB2_2:
0x26: {  	p1 =	sne.s32 s20, $0xFE00;
	[tilespmem:s19+$0x1170] =	vst v0  }
0x27: {  	[tilespmem:s19+$0x1100] =	vst v0  }
0x28: {  	[tilespmem:s19+$0x1110] =	vst v0  }
.Ltmp0:
0x29: {  	[tilespmem:s19+$0x1120] =	vst v0;
	(pc) =	sbr.rel @p1 .LBB2_2-.Ltmp0, $4  }
0x2a: {  	[tilespmem:s19+$0x1130] =	vst v0  }
0x2b: {  	[tilespmem:s19+$0x1140] =	vst v0  }
0x2c: {  	[tilespmem:s19+$0x1150] =	vst v0  }
0x2d: {  	[tilespmem:s19+$0x1160] =	vst v0;
	s19 =	sshra.s32 s20, $0x2;
	s20 =	sadd.s32 $0x200, s20  }
0x2e: {  	[tilespmem:s19+$0x1170] =	vst v0  }
0x2f: {  	[tilespmem:s19+$0x1100] =	vst v0  }
0x30: {  	[tilespmem:s19+$0x1110] =	vst v0  }
0x31: {  	[tilespmem:s19+$0x1120] =	vst v0  }
0x32: {  	[tilespmem:s19+$0x1130] =	vst v0  }
0x33: {  	[tilespmem:s19+$0x1140] =	vst v0  }
0x34: {  	[tilespmem:s19+$0x1150] =	vst v0  }
0x35: {  	[tilespmem:s19+$0x1160] =	vst v0  }
0x36: {  	[tilespmem:$0x1000] =	vst v0  }
0x37: {  	[tilespmem:$0x1010] =	vst v0  }
0x38: {  	[tilespmem:$0x1020] =	vst v0  }
0x39: {  	[tilespmem:$0x1030] =	vst v0  }
0x3a: {  	[tilespmem:$0x1040] =	vst v0  }
0x3b: {  	[tilespmem:$0x1050] =	vst v0  }
0x3c: {  	[tilespmem:$0x1060] =	vst v0  }
0x3d: {  	s5 =	rddreg [dreg:$0x6];
	[tilespmem:$0x1070] =	vst v0  }
0x3e: {  	[spmem:s5] =	stream.linear.scatter [tilespmem:s28], [sflag:$0x9], $0x4000, $0x38;
	[tilespmem:$0x1D380] =	vst v63  }
0x3f: {  	_ =	swait.ge [sflag:s29], $0x4000  }
0x40: {  	[sflag:s29] =	ssyncset.done $0x0  }
0x41: {  	s25 =	rddreg [dreg:$0x7];
	[sflag:s29] =	ssyncadd.s32 $0xFFFFC000  }
0x42: {  	[spmem:s25] =	stream.linear.scatter [tilespmem:s28], [sflag:$0x9], $0x4000, $0x38;
	[tilespmem:$0x1D380] =	vst v63  }
0x43: {  	_ =	swait.ge [sflag:s29], $0x4000  }
0x44: {  	[sflag:s29] =	ssyncset.done $0x0  }
0x45: {  	s26 =	rddreg [dreg:$0x8];
	[sflag:s29] =	ssyncadd.s32 $0xFFFFC000  }
0x46: {  	[spmem:s26] =	stream.linear.scatter [tilespmem:s28], [sflag:$0x9], $0x4000, $0x38;
	[tilespmem:$0x1D380] =	vst v63  }
0x47: {  	_ =	swait.ge [sflag:s29], $0x4000  }
0x48: {  	[sflag:s29] =	ssyncset.done $0x0  }
0x49: {  	s14 =	rddreg [dreg:$0x9];
	[sflag:s29] =	ssyncadd.s32 $0xFFFFC000  }
0x4a: {  	[spmem:s14] =	stream.linear.scatter [tilespmem:s28], [sflag:$0x9], $0x4000, $0x38;
	[tilespmem:$0x1D380] =	vst v63  }
0x4b: {  	_ =	swait.ge [sflag:s29], $0x4000  }
0x4c: {  	[sflag:s29] =	ssyncset.done $0x0  }
0x4d: {  	s19 =	rddreg [dreg:$0xa];
	[sflag:s29] =	ssyncadd.s32 $0xFFFFC000  }
0x4e: {  	[spmem:s19] =	stream.linear.scatter [tilespmem:s28], [sflag:$0x9], $0x4000, $0x38;
	[tilespmem:$0x1D380] =	vst v63  }
0x4f: {  	_ =	swait.ge [sflag:s29], $0x4000  }
0x50: {  	[sflag:s29] =	ssyncset.done $0x0  }
0x51: {  	[sflag:s29] =	ssyncadd.s32 $0xFFFFC000  }
0x52: {  	[spmem:s21] =	stream.linear.scatter [tilespmem:s30], [sflag:$0x9], $0x80, $0x38;
	[tilespmem:$0x1D380] =	vst v63  }
0x53: {  	_ =	swait.ge [sflag:s29], $0x80  }
0x54: {  	[sflag:s29] =	ssyncset.done $0x0  }
0x55: {  	s20 =	rddreg [dreg:$0xc];
	[sflag:s29] =	ssyncadd.s32 $0xFFFFFF80  }
0x56: {  	[spmem:s20] =	stream.linear.scatter [tilespmem:s30], [sflag:$0x9], $0x80, $0x38;
	[tilespmem:$0x1D380] =	vst v63  }
0x57: {  	_ =	swait.ge [sflag:s29], $0x80  }
0x58: {  	[sflag:s29] =	ssyncset.done $0x0  }
0x59: {  	s21 =	rddreg [dreg:$0xd];
	[sflag:s29] =	ssyncadd.s32 $0xFFFFFF80  }
0x5a: {  	[spmem:s21] =	stream.linear.scatter [tilespmem:s30], [sflag:$0x9], $0x80, $0x38;
	[tilespmem:$0x1D380] =	vst v63  }
0x5b: {  	_ =	swait.ge [sflag:s29], $0x80  }
0x5c: {  	[sflag:s29] =	ssyncset.done $0x0  }
0x5d: {  	s22 =	rddreg [dreg:$0xe];
	[sflag:s29] =	ssyncadd.s32 $0xFFFFFF80  }
0x5e: {  	[spmem:s22] =	stream.linear.scatter [tilespmem:s30], [sflag:$0x9], $0x80, $0x38;
	[tilespmem:$0x1D380] =	vst v63  }
0x5f: {  	_ =	swait.ge [sflag:s29], $0x80  }
0x60: {  	[sflag:s29] =	ssyncset.done $0x0  }
0x61: {  	s23 =	rddreg [dreg:$0xf];
	[sflag:s29] =	ssyncadd.s32 $0xFFFFFF80  }
0x62: {  	[spmem:s23] =	stream.linear.scatter [tilespmem:s30], [sflag:$0x9], $0x80, $0x38;
	[tilespmem:$0x1D380] =	vst v63  }
0x63: {  	_ =	swait.ge [sflag:s29], $0x80  }
0x64: {  	[sflag:s29] =	ssyncset.done $0x0  }
0x65: {  	[sflag:s29] =	ssyncadd.s32 $0xFFFFFF80  }
0x66: {  	[bflag:$0x0] =	sbarrier.arrive $0xFFFF  }
0x67: {  	s24 =	simm.s32 $0x0;
	s14 =	rddreg [dreg:$0x11]  }
0x68: {  	[tilespmem:s24], [sflag:$0x9] =	stream.linear.gather [hbm4b:s14+s24], $0x400, $0x38;
	[tilespmem:$0x1D380] =	vst v63  }
0x69: {  	_ =	swait.ge [sflag:s29], $0x400  }
0x6a: {  	[sflag:s29] =	ssyncset.done $0x0  }
0x6b: {  	s25 =	simm.s32 $0x800;
	s26 =	rddreg [dreg:$0x12];
	[sflag:s29] =	ssyncadd.s32 $0xFFFFFC00  }
0x6c: {  	[tilespmem:s25], [sflag:$0x9] =	stream.linear.gather [hbm4b:s26+s24], $0x400, $0x38;
	[tilespmem:$0x1D380] =	vst v63  }
0x6d: {  	_ =	swait.ge [sflag:s29], $0x400  }
0x6e: {  	[sflag:s29] =	ssyncset.done $0x0  }
0x6f: {  	[sflag:s29] =	ssyncadd.s32 $0xFFFFFC00  }
0x70: {  	[tilespmem:s28], [sflag:$0x1] =	stream.indirect.gather [hbm4b:s1+s31], $0x80, s24, s31, $0xb8;
	[tilespmem:$0x1D380] =	vst v63  }
0x71: {  	_ = 	snop  }
0x72: {  	[tilespmem:s30], [sflag:$0x3] =	stream.indirect.gather [hbm4b:s8+s31], $0x1, s24, s31, $0xb8;
	[tilespmem:$0x1D380] =	vst v63  }
0x73: {  	_ = 	snop  }
0x74: {  	[tilespmem:s0], [sflag:$0x2] =	stream.indirect.gather [hbm4b:s1+s31], $0x80, s31, s31, $0xb8;
	[tilespmem:$0x1D380] =	vst v63  }
0x75: {  	_ = 	snop  }
0x76: {  	[tilespmem:s9], [sflag:$0x4] =	stream.indirect.gather [hbm4b:s8+s31], $0x1, s31, s31, $0xb8;
	[tilespmem:$0x1D380] =	vst v63  }
0x77: {  	_ =	swait.ge [sflag:s10], $0x4000  }
0x78: {  	[sflag:s10] =	ssyncset.done $0x0  }
0x79: {  	[sflag:s10] =	ssyncadd.s32 $0xFFFFC000  }
0x7a: {  	_ =	swait.ge [sflag:s11], $0x80  }
0x7b: {  	[sflag:s11] =	ssyncset.done $0x0  }
0x7c: {  	[sflag:s11] =	ssyncadd.s32 $0xFFFFFF80  }
0x7d: {  	[spmem:s3] =	stream.indirect.scatter.add.f32 [tilespmem:s28], [sflag:$0x5], $0x80, s25, s31, $0xb8;
	[tilespmem:$0x1D380] =	vst v63  }
0x7e: {  	_ = 	snop  }
0x7f: {  	[spmem:s4] =	stream.indirect.scatter.add.f32 [tilespmem:s30], [sflag:$0x7], $0x1, s25, s31, $0xb8;
	[tilespmem:$0x1D380] =	vst v63  }
0x80: {  	_ =	swait.ge [sflag:s12], $0x4000  }
0x81: {  	[sflag:s12] =	ssyncset.done $0x0  }
0x82: {  	s5 =	simm.s32 $0x2;
	[sflag:s12] =	ssyncadd.s32 $0xFFFFC000  }
0x83: {  	s19 =	sand.u32 $0x6, s5;
	_ =	swait.ge [sflag:s13], $0x80  }
0x84: {  	p1 =	sne.s32 s19, $0x0;
	s20 =	rddreg [dreg:$0x5]  }
0x85: {  	s20 =	sadd.s32 @!p1 $0x0, s20  }
0x86: {  	s21 =	simm.s32 $0x100;
	s20 =	sshll.u32 @!p1 s20, $0x7  }
0x87: {  	s21 =	sand.u32 @!p1 $0x400, s21;
	[sflag:s13] =	ssyncset.done $0x0;
	s20 =	sand.u32 @!p1 $0x1FFFFF80, s20  }
0x88: {  	s22 =	simm.s32 @!p1 $0x0;
	[sflag:s13] =	ssyncadd.s32 $0xFFFFFF80;
	s23 =	sadd.s32 @!p1 s6, s20  }
0x89: {  	[tilespmem:s21], [sflag:$0x9] =	stream.linear.gather @!p1 [hbm4b:s23+s22], $0x400, $0x38;
	[tilespmem:$0x1D380] =	vst v63  }
0x8a: {  	s23 =	simm.s32 @!p1 $0x9  }
0x8b: {  	_ =	swait.ge @!p1 [sflag:s23], $0x400  }
0x8c: {  	s14 =	simm.s32 $0x400;
	[sflag:s23] =	ssyncset.done @!p1 $0x0  }
0x8d: {  	s20 =	sadd.s32 @!p1 s7, s20;
	s21 =	sor.u32 @!p1 $0x800, s21;
	[sflag:s23] =	ssyncadd.s32 @!p1 $0xFFFFFC00  }
0x8e: {  	[tilespmem:s21], [sflag:$0x9] =	stream.linear.gather @!p1 [hbm4b:s20+s22], $0x400, $0x38;
	[tilespmem:$0x1D380] =	vst v63  }
0x8f: {  	s22 =	sand.u32 $0x1000, s14;
	_ =	swait.ge @!p1 [sflag:s23], $0x400  }
0x90: {  	s19 =	sshll.u32 s19, $0x7;
	s21 =	sshrl.u32 s22, $0x2;
	[sflag:s23] =	ssyncset.done @!p1 $0x0  }
0x91: {  	s19 =	sor.u32 s19, s21;
	[sflag:s23] =	ssyncadd.s32 @!p1 $0xFFFFFC00  }
0x92: {  	[tilespmem:s28], [sflag:$0x1] =	stream.indirect.gather [hbm4b:s1+s31], $0x80, s19, s31, $0xb8;
	[tilespmem:$0x1D380] =	vst v63  }
0x93: {  	_ = 	snop  }
0x94: {  	[tilespmem:s30], [sflag:$0x3] =	stream.indirect.gather [hbm4b:s8+s31], $0x1, s19, s31, $0xb8;
	[tilespmem:$0x1D380] =	vst v63  }
0x95: {  	_ =	swait.ge [sflag:s2], $0x4000  }
0x96: {  	[sflag:s2] =	ssyncset.done $0x0  }
0x97: {  	[sflag:s2] =	ssyncadd.s32 $0xFFFFC000  }
0x98: {  	_ =	swait.ge [sflag:s15], $0x80  }
0x99: {  	[sflag:s15] =	ssyncset.done $0x0  }
0x9a: {  	s24 =	simm.s32 $0x880;
	[sflag:s15] =	ssyncadd.s32 $0xFFFFFF80  }
0x9b: {  	[spmem:s3] =	stream.indirect.scatter.add.f32 [tilespmem:s0], [sflag:$0x6], $0x80, s24, s31, $0xb8;
	[tilespmem:$0x1D380] =	vst v63  }
0x9c: {  	_ = 	snop  }
0x9d: {  	[spmem:s4] =	stream.indirect.scatter.add.f32 [tilespmem:s9], [sflag:$0x8], $0x1, s24, s31, $0xb8;
	[tilespmem:$0x1D380] =	vst v63  }
0x9e: {  	_ =	swait.ge [sflag:s16], $0x4000  }
0x9f: {  	[sflag:s16] =	ssyncset.done $0x0  }
0xa0: {  	[sflag:s16] =	ssyncadd.s32 $0xFFFFC000  }
0xa1: {  	_ =	swait.ge [sflag:s17], $0x80  }
0xa2: {  	s25 =	simm.s32 $0x180;
	[sflag:s17] =	ssyncset.done $0x0  }
0xa3: {  	s19 =	sand.u32 $0x780, s25;
	[sflag:s17] =	ssyncadd.s32 $0xFFFFFF80  }
0xa4: {  	[tilespmem:s0], [sflag:$0x2] =	stream.indirect.gather [hbm4b:s1+s31], $0x80, s19, s31, $0xb8;
	[tilespmem:$0x1D380] =	vst v63  }
0xa5: {  	_ = 	snop  }
0xa6: {  	[tilespmem:s9], [sflag:$0x4] =	stream.indirect.gather [hbm4b:s8+s31], $0x1, s19, s31, $0xb8;
	[tilespmem:$0x1D380] =	vst v63  }
0xa7: {  	_ =	swait.ge [sflag:s10], $0x4000  }
0xa8: {  	[sflag:s10] =	ssyncset.done $0x0  }
0xa9: {  	s26 =	sand.u32 $0xC00, s14;
	[sflag:s10] =	ssyncadd.s32 $0xFFFFC000  }
0xaa: {  	s20 =	simm.s32 $0x200;
	s19 =	sshrl.u32 s26, $0x2;
	_ =	swait.ge [sflag:s11], $0x80  }
0xab: {  	s19 =	sor.u32 s19, s21;
	s21 =	simm.s32 $0xA00;
	[sflag:s11] =	ssyncset.done $0x0  }
0xac: {  	s22 =	sor.u32 $0x800, s19;
	s19 =	simm.s32 $0x4;
	[sflag:s11] =	ssyncadd.s32 $0xFFFFFF80  }
0xad: {  	[spmem:s3] =	stream.indirect.scatter.add.f32 [tilespmem:s28], [sflag:$0x5], $0x80, s22, s31, $0xb8;
	[tilespmem:$0x1D380] =	vst v63  }
.LBB2_4:
0xae: {  	[spmem:s4] =	stream.indirect.scatter.add.f32 [tilespmem:s30], [sflag:$0x7], $0x1, s22, s31, $0xb8;
	[tilespmem:$0x1D380] =	vst v63  }
0xaf: {  	_ =	swait.ge [sflag:s12], $0x4000  }
0xb0: {  	s23 =	smov.u32 s19;
	[sflag:s12] =	ssyncset.done $0x0  }
0xb1: {  	s24 =	sand.u32 $0x6, s23;
	[sflag:s12] =	ssyncadd.s32 $0xFFFFC000  }
0xb2: {  	p2 =	sne.s32 s24, $0x0;
	_ =	swait.ge [sflag:s13], $0x80  }
0xb3: {  	s23 =	sshrl.u32 @!p2 s23, $0x3;
	s25 =	rddreg [dreg:$0x5]  }
0xb4: {  	s23 =	sadd.s32 @!p2 s25, s23  }
0xb5: {  	s26 =	simm.s32 @!p2 $0x0;
	s23 =	sshll.u32 @!p2 s23, $0x7  }
0xb6: {  	s5 =	sand.u32 @!p2 $0x400, s20;
	[sflag:s13] =	ssyncset.done $0x0;
	s23 =	sand.u32 @!p2 $0x1FFFFF80, s23  }
0xb7: {  	s25 =	simm.s32 @!p2 $0x9;
	[sflag:s13] =	ssyncadd.s32 $0xFFFFFF80;
	s14 =	sadd.s32 @!p2 s6, s23  }
0xb8: {  	[tilespmem:s5], [sflag:$0x9] =	stream.linear.gather @!p2 [hbm4b:s14+s26], $0x400, $0x38;
	[tilespmem:$0x1D380] =	vst v63  }
0xb9: {  	_ =	swait.ge @!p2 [sflag:s25], $0x400  }
0xba: {  	s5 =	sor.u32 @!p2 $0x800, s5;
	[sflag:s25] =	ssyncset.done @!p2 $0x0  }
0xbb: {  	s14 =	sadd.s32 @!p2 s7, s23;
	s23 =	sadd.s32 $0xFFFFFE00, s21;
	[sflag:s25] =	ssyncadd.s32 @!p2 $0xFFFFFC00  }
0xbc: {  	[tilespmem:s5], [sflag:$0x9] =	stream.linear.gather @!p2 [hbm4b:s14+s26], $0x400, $0x38;
	[tilespmem:$0x1D380] =	vst v63  }
0xbd: {  	s14 =	sand.u32 $0x1000, s23;
	_ =	swait.ge @!p2 [sflag:s25], $0x400  }
0xbe: {  	s24 =	sshll.u32 s24, $0x7;
	s5 =	sshrl.u32 s14, $0x2;
	[sflag:s25] =	ssyncset.done @!p2 $0x0  }
0xbf: {  	s24 =	sor.u32 s24, s5;
	[sflag:s25] =	ssyncadd.s32 @!p2 $0xFFFFFC00  }
0xc0: {  	[tilespmem:s28], [sflag:$0x1] =	stream.indirect.gather [hbm4b:s1+s31], $0x80, s24, s31, $0xb8;
	[tilespmem:$0x1D380] =	vst v63  }
0xc1: {  	_ = 	snop  }
0xc2: {  	[tilespmem:s30], [sflag:$0x3] =	stream.indirect.gather [hbm4b:s8+s31], $0x1, s24, s31, $0xb8;
	[tilespmem:$0x1D380] =	vst v63  }
0xc3: {  	_ =	swait.ge [sflag:s2], $0x4000  }
0xc4: {  	[sflag:s2] =	ssyncset.done $0x0  }
0xc5: {  	[sflag:s2] =	ssyncadd.s32 $0xFFFFC000  }
0xc6: {  	_ =	swait.ge [sflag:s15], $0x80  }
0xc7: {  	[sflag:s15] =	ssyncset.done $0x0  }
0xc8: {  	s25 =	sadd.s32 $0x80, s22;
	[sflag:s15] =	ssyncadd.s32 $0xFFFFFF80  }
0xc9: {  	[spmem:s3] =	stream.indirect.scatter.add.f32 [tilespmem:s0], [sflag:$0x6], $0x80, s25, s31, $0xb8;
	[tilespmem:$0x1D380] =	vst v63  }
0xca: {  	_ = 	snop  }
0xcb: {  	[spmem:s4] =	stream.indirect.scatter.add.f32 [tilespmem:s9], [sflag:$0x8], $0x1, s25, s31, $0xb8;
	[tilespmem:$0x1D380] =	vst v63  }
0xcc: {  	_ =	swait.ge [sflag:s16], $0x4000  }
0xcd: {  	[sflag:s16] =	ssyncset.done $0x0  }
0xce: {  	[sflag:s16] =	ssyncadd.s32 $0xFFFFC000  }
0xcf: {  	s23 =	sand.u32 $0xC00, s23;
	_ =	swait.ge [sflag:s17], $0x80  }
0xd0: {  	s26 =	sshrl.u32 s21, $0x2;
	s14 =	sshrl.u32 s23, $0x2;
	[sflag:s17] =	ssyncset.done $0x0  }
0xd1: {  	s5 =	sor.u32 s14, s5;
	s14 =	sand.u32 $0x780, s26;
	[sflag:s17] =	ssyncadd.s32 $0xFFFFFF80  }
0xd2: {  	[tilespmem:s0], [sflag:$0x2] =	stream.indirect.gather [hbm4b:s1+s31], $0x80, s14, s31, $0xb8;
	[tilespmem:$0x1D380] =	vst v63  }
0xd3: {  	_ = 	snop  }
0xd4: {  	[tilespmem:s9], [sflag:$0x4] =	stream.indirect.gather [hbm4b:s8+s31], $0x1, s14, s31, $0xb8;
	[tilespmem:$0x1D380] =	vst v63  }
0xd5: {  	s19 =	sadd.s32 $0x2, s19;
	_ =	swait.ge [sflag:s10], $0x4000  }
0xd6: {  	p1 =	sne.s32 s19, $0x50;
	[sflag:s10] =	ssyncset.done $0x0  }
.Ltmp1:
0xd7: {  	[sflag:s10] =	ssyncadd.s32 $0xFFFFC000;
	(pc) =	sbr.rel @p1 .LBB2_4-.Ltmp1, $4  }
0xd8: {  	_ =	swait.ge [sflag:s11], $0x80  }
0xd9: {  	s20 =	sadd.s32 $0x100, s20;
	[sflag:s11] =	ssyncset.done $0x0  }
0xda: {  	s21 =	sadd.s32 $0x400, s21;
	s22 =	sor.u32 $0x800, s5;
	[sflag:s11] =	ssyncadd.s32 $0xFFFFFF80  }
0xdb: {  	[spmem:s3] =	stream.indirect.scatter.add.f32 [tilespmem:s28], [sflag:$0x5], $0x80, s22, s31, $0xb8;
	[tilespmem:$0x1D380] =	vst v63  }
0xdc: {  	[spmem:s4] =	stream.indirect.scatter.add.f32 [tilespmem:s30], [sflag:$0x7], $0x1, s22, s31, $0xb8;
	[tilespmem:$0x1D380] =	vst v63  }
0xdd: {  	_ =	swait.ge [sflag:s2], $0x4000  }
0xde: {  	[sflag:s2] =	ssyncset.done $0x0  }
0xdf: {  	[sflag:s2] =	ssyncadd.s32 $0xFFFFC000  }
0xe0: {  	_ =	swait.ge [sflag:s15], $0x80  }
0xe1: {  	[sflag:s15] =	ssyncset.done $0x0  }
0xe2: {  	s5 =	sadd.s32 $0x80, s22;
	[sflag:s15] =	ssyncadd.s32 $0xFFFFFF80  }
0xe3: {  	[spmem:s3] =	stream.indirect.scatter.add.f32 [tilespmem:s0], [sflag:$0x6], $0x80, s5, s31, $0xb8;
	[tilespmem:$0x1D380] =	vst v63  }
0xe4: {  	_ = 	snop  }
0xe5: {  	[spmem:s4] =	stream.indirect.scatter.add.f32 [tilespmem:s9], [sflag:$0x8], $0x1, s5, s31, $0xb8;
	[tilespmem:$0x1D380] =	vst v63  }
0xe6: {  	_ =	swait.ge [sflag:s12], $0x4000  }
0xe7: {  	[sflag:s12] =	ssyncset.done $0x0  }
0xe8: {  	[sflag:s12] =	ssyncadd.s32 $0xFFFFC000  }
0xe9: {  	_ =	swait.ge [sflag:s13], $0x80  }
0xea: {  	[sflag:s13] =	ssyncset.done $0x0  }
0xeb: {  	[sflag:s13] =	ssyncadd.s32 $0xFFFFFF80  }
0xec: {  	_ =	swait.ge [sflag:s16], $0x4000  }
0xed: {  	[sflag:s16] =	ssyncset.done $0x0  }
0xee: {  	[sflag:s16] =	ssyncadd.s32 $0xFFFFC000  }
0xef: {  	_ =	swait.ge [sflag:s17], $0x80  }
0xf0: {  	[sflag:s17] =	ssyncset.done $0x0  }
0xf1: {  	[sflag:s17] =	ssyncadd.s32 $0xFFFFFF80  }
0xf2: {  	[bflag:$0x0] =	sbarrier.arrive $0xFFFF  }
0xf3: {  	s14 =	rddreg [dreg:$0x13]  }
0xf4: {  	s5 =	simm.s32 @p0 $0x1FC9;
	s19 =	rddreg [dreg:$0x16]  }
0xf5: {  	[hbm:s14], [sflag:s5] =	dma.local @p0 [spmem:s19], $0x2800  }
0xf6: {  	s5 =	simm.s32 @p0 $0x9  }
0xf7: {  	s20 =	stileid.u32;
	_ =	swait.ge @p0 [sflag:s5], $0x2800  }
0xf8: {  	s14 =	sshll.u32 @!p0 s20, $0x6;
	[sflag:s5] =	ssyncset.done @p0 $0x0;
	s19 =	rddreg [dreg:$0x17]  }
0xf9: {  	[sflag:s5] =	ssyncadd.s32 @p0 $0xFFFFD800;
	s5 =	sor.u32 @!p0 $0x1C09, s14;
	s14 =	rddreg [dreg:$0x10]  }
0xfa: {  	[hbm:s14], [sflag:s5] =	dma.local @!p0 [spmem:s19], $0x2700  }
0xfb: {  	s5 =	simm.s32 @!p0 $0x9  }
0xfc: {  	s22 =	sshll.u32 s20, $0x6;
	_ =	swait.ge @!p0 [sflag:s5], $0x2700  }
0xfd: {  	s23 =	sor.u32 $0x1C09, s22;
	[sflag:s5] =	ssyncset.done @!p0 $0x0;
	s21 =	rddreg [dreg:$0xb]  }
0xfe: {  	s25 =	rddreg [dreg:$0x14];
	[sflag:s5] =	ssyncadd.s32 @!p0 $0xFFFFD900;
	s24 =	sshrl.u32 s21, $0x3  }
0xff: {  	[hbm:s25], [sflag:s23] =	dma.local [spmem:s24], $0x50  }
0x100: {  	_ =	swait.ge [sflag:s29], $0x50  }
0x101: {  	s18 =	sadd.s32 $0x1, s18;
	s26 =	rddreg [dreg:$0x15]  }
0x102: {  	p1 =	sne.s32 s18, s26  }
.Ltmp2:
0x103: {  	_ = 	snop;
	(pc) =	sbr.rel @p1 .LBB2_1-.Ltmp2, $3  }
0x104: {  	_ =	sdelay $0x1  }
0x105: {  	[sflag:s29] =	ssyncset.done $0x0  }
0x106: {  	s19 =	stileid.u32;
	[sflag:s29] =	ssyncadd.s32 $0xFFFFFFB0  }
0x107: {  	_ =	sfence.sel $0x180000  }
0x108: {  	[bflag:$0x0] =	sbarrier.arrive $0xFFFF  }
0x109: {  	_ =	strace $0x90000047  }
0x10a: {  	[bflag:$0x2] =	sbarrier.arrive $0xFFFF  }
0x10b: {  	p0 =	sne.s32 s19, $0x0;
	s0 =	rddreg [dreg:$0x4]  }
0x10c: {  	s0 =	sadd.s32 @!p0 $0x100000, s0  }
0x10d: {  	[sflag:s0] =	ssyncadd.tile.s32 @!p0 $0x1;
	_ =	shalt  }
.Lfunc_end2:
_tile_overlayer_lowered:
.L_overlay_start_2:
0x10e: {  	(tag) =	ssettag $0x2  }
0x10f: {  	s0 =	rddreg [dreg:$0x0];
	s2 =	stileid.u32  }
0x110: {  	s1 =	rddreg [dreg:$0x1];
	p0 =	sne.s32 s2, $0x0  }
0x111: {  	s3 =	rddreg [dreg:$0x2];
	[bflag:$0x3] =	sbarrier.arrive $0xFFFF;
	s2 =	simm.s32 @!p0 $0x1C09  }
0x112: {  	[timem:s3], [sflag:s2] =	dma.local @!p0 [hbm:s0], s1  }
0x113: {  	s0 =	simm.s32 @!p0 $0x9  }
0x114: {  	_ =	swait.ge @!p0 [sflag:s0], s1  }
0x115: {  	s1 =	ssub.s32 @!p0 $0x0, s1;
	[sflag:s0] =	ssyncset.done @!p0 $0x0  }
0x116: {  	[sflag:s0] =	ssyncadd.s32 @!p0 s1  }
0x117: {  	[bflag:$0x3] =	sbarrier.arrive $0xFFFF  }
0x118: {  	_ =	shalt  }

</sc_bundles>
